<compile_context>
chip_gen: v7x
topology: tpu7x:2x2x1
jax: 0.10.2.dev20260603
libtpu: 0.0.44.dev20260713+nightly
codegen_flags: <defaults>
</compile_context>

<pallas_src>
import jax
import jax.numpy as jnp
from jax import lax
from jax.experimental import pallas as pl
from jax.experimental.pallas import tpu as pltpu
from jax.experimental.pallas import tpu_sc as plsc

NUM_EMB = 1000
D = 64
N = 819200

NC = 2
NS = 16
NW = NC * NS
LANES = 16

FEATS = 16
NQ = NW // (D // FEATS)
TOKENS_PER_Q = N // NQ
CHUNK = 2048
STEPS = TOKENS_PER_Q // CHUNK
GROUPS = CHUNK // LANES
NBUF = 3
OUTER = (STEPS + NBUF - 1) // NBUF


def _body(xt_hbm, idx_hbm, wt_hbm, out_hbm, w_v, acc, idxb,
          sem_x, sem_out):
    cid = lax.axis_index("c")
    sid = lax.axis_index("s")
    wid = sid * NC + cid
    fgroup = wid % (D // FEATS)
    shard = wid // (D // FEATS)
    f0 = fgroup * FEATS
    qbase = shard * TOKENS_PER_Q

    pltpu.sync_copy(wt_hbm.at[pl.ds(f0 * NUM_EMB, FEATS * NUM_EMB)], w_v)

    def x_in(k, b):
        return pltpu.make_async_copy(
            xt_hbm.at[pl.ds(f0, FEATS), pl.ds(qbase + k * CHUNK, CHUNK)],
            acc[b], sem_x[b])

    def i_in(k, b):
        return pltpu.make_async_copy(
            idx_hbm.at[pl.ds(qbase + k * CHUNK, CHUNK)], idxb[b], sem_x[b])

    def out_cp(k, b):
        return pltpu.make_async_copy(
            acc[b],
            out_hbm.at[pl.ds(f0, FEATS), pl.ds(qbase + k * CHUNK, CHUNK)],
            sem_out[b])

    for kk in (0, 1):
        x_in(kk, kk).start()
        i_in(kk, kk).start()

    def round_(g, carry):
        for j in range(NBUF):
            k = NBUF * g + j
            b = j

            @pl.when(k < STEPS)
            def _():
                x_in(k, b).wait()
                i_in(k, b).wait()

                @plsc.parallel_loop(0, GROUPS, 1)
                def add_group(gg):
                    ids = idxb[b][pl.ds(gg * LANES, LANES)]
                    for f in range(FEATS):
                        wv = plsc.load_gather(w_v, [ids + f * NUM_EMB])
                        plsc.addupdate(
                            acc[b].at[f, pl.ds(gg * LANES, LANES)], wv)

                out_cp(k, b).start()

                b2 = (j + 2) % NBUF

                @pl.when(k + 2 < STEPS)
                def _():
                    @pl.when(k >= 1)
                    def _():
                        out_cp(k - 1, b2).wait()
                    x_in(k + 2, b2).start()
                    i_in(k + 2, b2).start()

        return carry

    lax.fori_loop(0, OUTER, round_, 0)
    for k in range(STEPS - NBUF, STEPS):
        out_cp(k, k % NBUF).wait()


@jax.jit
def _run(xt, idx, wt):
    mesh = plsc.VectorSubcoreMesh(core_axis_name="c", subcore_axis_name="s")
    f = pl.kernel(
        _body,
        out_type=jax.ShapeDtypeStruct((D, N), jnp.float32),
        mesh=mesh,
        compiler_params=pltpu.CompilerParams(needs_layout_passes=False),
        scratch_types=[
            pltpu.VMEM((FEATS * NUM_EMB,), jnp.float32),
            [pltpu.VMEM((FEATS, CHUNK), jnp.float32)] * NBUF,
            [pltpu.VMEM((CHUNK,), jnp.int32)] * NBUF,
            [pltpu.SemaphoreType.DMA] * NBUF,
            [pltpu.SemaphoreType.DMA] * NBUF,
        ],
    )
    return f(xt, idx, wt)


def kernel(x, resids_positional_encoded, W):
    idx = resids_positional_encoded.astype(jnp.int32)
    wt = jnp.reshape(W.T, (-1,))
    return _run(x.T, idx, wt).T

# --- scband reference (transcript-rebuilt; emitter-appended) ---
"""Pipeline reference for scband-posit-tcrencoder-11570641895566 (READ-ONLY COPY).

The authoritative reference and input builder live on the scoring server;
editing this copy changes nothing except your own understanding.
"""

import jax, jax.numpy as jnp
import numpy as np

NUM_EMBEDDINGS = 1000
EMBED_DIM = 64
N = 819200

def setup_inputs(seed: int = 0) -> dict:
    key = jax.random.key(seed)
    k_x, k_idx, k_w = jax.random.split(key, 3)
    x = jax.random.normal(k_x, (N, EMBED_DIM), dtype=jnp.float32)
    resids_positional_encoded = jax.random.randint(k_idx, (N,), 0, NUM_EMBEDDINGS, dtype=jnp.int64)
    W = jax.random.normal(k_w, (NUM_EMBEDDINGS, EMBED_DIM), dtype=jnp.float32) * 0.02
    return {"x": x, "resids_positional_encoded": resids_positional_encoded, "W": W}

def reference(x, resids_positional_encoded, W):
    # Faithful translation of PositTCREncoder.forward in eval mode
    # (dropout is identity at inference).
    pe_embed = jnp.take(W, resids_positional_encoded, axis=0)  # embedding lookup
    out = x + pe_embed
    return out

if __name__ == "__main__":
    import jax
    _d = setup_inputs()
    print(jax.jit(kernel)(*tuple(_d.values())))

</pallas_src>

<mosaic_0001>
#map = affine_map<(d0, d1) -> (0, 0)>
#map1 = affine_map<(d0, d1) -> (0)>
module attributes {stable_mosaic.version = 14 : i64} {
  func.func @_body(%arg0: i32, %arg1: i32, %arg2: memref<64x819200xf32, #tpu.memory_space<hbm>>, %arg3: memref<819200xi32, #tpu.memory_space<hbm>>, %arg4: memref<64000xf32, #tpu.memory_space<hbm>>, %arg5: memref<64x819200xf32, #tpu.memory_space<hbm>>, %arg6: memref<16000xf32, #tpu.memory_space<vmem>>, %arg7: memref<16x2048xf32, #tpu.memory_space<vmem>>, %arg8: memref<16x2048xf32, #tpu.memory_space<vmem>>, %arg9: memref<16x2048xf32, #tpu.memory_space<vmem>>, %arg10: memref<2048xi32, #tpu.memory_space<vmem>>, %arg11: memref<2048xi32, #tpu.memory_space<vmem>>, %arg12: memref<2048xi32, #tpu.memory_space<vmem>>, %arg13: memref<!tpu.dma_semaphore, #tpu.memory_space<semaphore_mem>>, %arg14: memref<!tpu.dma_semaphore, #tpu.memory_space<semaphore_mem>>, %arg15: memref<!tpu.dma_semaphore, #tpu.memory_space<semaphore_mem>>, %arg16: memref<!tpu.dma_semaphore, #tpu.memory_space<semaphore_mem>>, %arg17: memref<!tpu.dma_semaphore, #tpu.memory_space<semaphore_mem>>, %arg18: memref<!tpu.dma_semaphore, #tpu.memory_space<semaphore_mem>>) attributes {dimension_semantics = [#tpu.dimension_semantics<core_parallel>, #tpu.dimension_semantics<subcore_parallel>], iteration_bounds = array<i64: 2, 16>, scalar_prefetch = 0 : i64, scratch_operands = 13 : i64, tpu.core_type = #tpu.core_type<sc_vector_subcore>, window_params = [{transform_indices = #map}, {transform_indices = #map1}, {transform_indices = #map1}, {transform_indices = #map}]} {
    %mul3A = arith.constant 2 : i32
    %mul3A_0 = arith.muli %arg1, %mul3A : i32
    %add3A = arith.addi %mul3A_0, %arg0 : i32
    %jit3A = arith.constant 4 : i32
    %eq3A = arith.constant 0 : i32
    %eq3A_1 = arith.cmpi eq, %jit3A, %eq3A : i32
    %jit3A_2 = arith.constant 1 : i32
    %select_n3A = arith.select %eq3A_1, %jit3A_2, %jit3A : i32
    %rem3A = arith.remsi %add3A, %select_n3A : i32
    %ne3A = arith.constant 0 : i32
    %ne3A_3 = arith.cmpi ne, %rem3A, %ne3A : i32
    %lt3A = arith.constant 0 : i32
    %lt3A_4 = arith.cmpi slt, %rem3A, %lt3A : i32
    %lt3A_5 = arith.constant 0 : i32
    %lt3A_6 = arith.cmpi slt, %select_n3A, %lt3A_5 : i32
    %ne3A_7 = arith.xori %lt3A_4, %lt3A_6 : i1
    %and3A = arith.andi %ne3A_7, %ne3A_3 : i1
    %add3A_8 = arith.addi %rem3A, %select_n3A : i32
    %select_n3A_9 = arith.select %and3A, %add3A_8, %rem3A : i32
    %jit3A_10 = arith.constant 4 : i32
    %div3A = arith.divsi %add3A, %jit3A_10 : i32
    %sign3A = arith.constant 0 : i32
    %sign3A_11 = arith.cmpi sgt, %add3A, %sign3A : i32
    %sign3A_12 = arith.extui %sign3A_11 : i1 to i32
    %sign3A_13 = arith.constant 0 : i32
    %sign3A_14 = arith.cmpi slt, %add3A, %sign3A_13 : i32
    %sign3A_15 = arith.extui %sign3A_14 : i1 to i32
    %sign3A_16 = arith.subi %sign3A_12, %sign3A_15 : i32
    %sign3A_17 = arith.constant 0 : i32
    %sign3A_18 = arith.cmpi sgt, %jit3A_10, %sign3A_17 : i32
    %sign3A_19 = arith.extui %sign3A_18 : i1 to i32
    %sign3A_20 = arith.constant 0 : i32
    %sign3A_21 = arith.cmpi slt, %jit3A_10, %sign3A_20 : i32
    %sign3A_22 = arith.extui %sign3A_21 : i1 to i32
    %sign3A_23 = arith.subi %sign3A_19, %sign3A_22 : i32
    %ne3A_24 = arith.cmpi ne, %sign3A_16, %sign3A_23 : i32
    %rem3A_25 = arith.remsi %add3A, %jit3A_10 : i32
    %ne3A_26 = arith.constant 0 : i32
    %ne3A_27 = arith.cmpi ne, %rem3A_25, %ne3A_26 : i32
    %and3A_28 = arith.andi %ne3A_24, %ne3A_27 : i1
    %sub3A = arith.constant 1 : i32
    %sub3A_29 = arith.subi %div3A, %sub3A : i32
    %select_n3A_30 = arith.select %and3A_28, %sub3A_29, %div3A : i32
    %mul3A_31 = arith.constant 16 : i32
    %mul3A_32 = arith.muli %select_n3A_9, %mul3A_31 : i32
    %mul3A_33 = arith.constant 102400 : i32
    %mul3A_34 = arith.muli %select_n3A_30, %mul3A_33 : i32
    %mul3A_35 = arith.constant 1000 : i32
    %mul3A_36 = arith.muli %mul3A_32, %mul3A_35 : i32
    "tpu.region"() ({
      %run_scoped3A = tpu.sem_alloc : memref<!tpu.dma_semaphore, #tpu.memory_space<semaphore_mem>>
      %dma_start3A_68 = tpu.memref_slice %arg4[%mul3A_36] : memref<64000xf32, #tpu.memory_space<hbm>> -> memref<16000xf32, #tpu.memory_space<hbm>>
      %dma_start3A_69 = tpu.memref_slice %arg4[%mul3A_36] : memref<64000xf32, #tpu.memory_space<hbm>> -> memref<16000xf32, #tpu.memory_space<hbm>>
      tpu.enqueue_dma source(%dma_start3A_69 : memref<16000xf32, #tpu.memory_space<hbm>>) target(%arg6 : memref<16000xf32, #tpu.memory_space<vmem>>) target_semaphore(%run_scoped3A : memref<!tpu.dma_semaphore, #tpu.memory_space<semaphore_mem>>)
      %dma_wait3A_70 = tpu.memref_slice %arg4[%mul3A_36] : memref<64000xf32, #tpu.memory_space<hbm>> -> memref<16000xf32, #tpu.memory_space<hbm>>
      %dma_wait3A_71 = tpu.memref_slice %arg4[%mul3A_36] : memref<64000xf32, #tpu.memory_space<hbm>> -> memref<16000xf32, #tpu.memory_space<hbm>>
      tpu.wait_dma2 semaphore(%run_scoped3A : memref<!tpu.dma_semaphore, #tpu.memory_space<semaphore_mem>>) src(%dma_wait3A_71 : memref<16000xf32, #tpu.memory_space<hbm>>) dst(%arg6 : memref<16000xf32, #tpu.memory_space<vmem>>)
      tpu.yield
    }) : () -> ()
    %add3A_37 = arith.constant 0 : i32
    %add3A_38 = arith.addi %mul3A_34, %add3A_37 : i32
    %dma_start3A = tpu.memref_slice %arg2[%mul3A_32, %add3A_38] : memref<64x819200xf32, #tpu.memory_space<hbm>> -> memref<16x2048xf32, #tpu.memory_space<hbm>>
    %dma_start3A_39 = tpu.memref_slice %arg2[%mul3A_32, %add3A_38] : memref<64x819200xf32, #tpu.memory_space<hbm>> -> memref<16x2048xf32, #tpu.memory_space<hbm>>
    tpu.enqueue_dma source(%dma_start3A_39 : memref<16x2048xf32, #tpu.memory_space<hbm>>) target(%arg7 : memref<16x2048xf32, #tpu.memory_space<vmem>>) target_semaphore(%arg13 : memref<!tpu.dma_semaphore, #tpu.memory_space<semaphore_mem>>)
    %add3A_40 = arith.constant 0 : i32
    %add3A_41 = arith.addi %mul3A_34, %add3A_40 : i32
    %dma_start3A_42 = tpu.memref_slice %arg3[%add3A_41] : memref<819200xi32, #tpu.memory_space<hbm>> -> memref<2048xi32, #tpu.memory_space<hbm>>
    %dma_start3A_43 = tpu.memref_slice %arg3[%add3A_41] : memref<819200xi32, #tpu.memory_space<hbm>> -> memref<2048xi32, #tpu.memory_space<hbm>>
    tpu.enqueue_dma source(%dma_start3A_43 : memref<2048xi32, #tpu.memory_space<hbm>>) target(%arg10 : memref<2048xi32, #tpu.memory_space<vmem>>) target_semaphore(%arg13 : memref<!tpu.dma_semaphore, #tpu.memory_space<semaphore_mem>>)
    %add3A_44 = arith.constant 2048 : i32
    %add3A_45 = arith.addi %mul3A_34, %add3A_44 : i32
    %dma_start3A_46 = tpu.memref_slice %arg2[%mul3A_32, %add3A_45] : memref<64x819200xf32, #tpu.memory_space<hbm>> -> memref<16x2048xf32, #tpu.memory_space<hbm>>
    %dma_start3A_47 = tpu.memref_slice %arg2[%mul3A_32, %add3A_45] : memref<64x819200xf32, #tpu.memory_space<hbm>> -> memref<16x2048xf32, #tpu.memory_space<hbm>>
    tpu.enqueue_dma source(%dma_start3A_47 : memref<16x2048xf32, #tpu.memory_space<hbm>>) target(%arg8 : memref<16x2048xf32, #tpu.memory_space<vmem>>) target_semaphore(%arg14 : memref<!tpu.dma_semaphore, #tpu.memory_space<semaphore_mem>>)
    %add3A_48 = arith.constant 2048 : i32
    %add3A_49 = arith.addi %mul3A_34, %add3A_48 : i32
    %dma_start3A_50 = tpu.memref_slice %arg3[%add3A_49] : memref<819200xi32, #tpu.memory_space<hbm>> -> memref<2048xi32, #tpu.memory_space<hbm>>
    %dma_start3A_51 = tpu.memref_slice %arg3[%add3A_49] : memref<819200xi32, #tpu.memory_space<hbm>> -> memref<2048xi32, #tpu.memory_space<hbm>>
    tpu.enqueue_dma source(%dma_start3A_51 : memref<2048xi32, #tpu.memory_space<hbm>>) target(%arg11 : memref<2048xi32, #tpu.memory_space<vmem>>) target_semaphore(%arg14 : memref<!tpu.dma_semaphore, #tpu.memory_space<semaphore_mem>>)
    %scan3A = arith.constant 0 : i32
    %scan3A_52 = arith.constant 0 : i32
    %scan3A_53 = arith.constant 17 : i32
    %scan3A_54 = arith.addi %scan3A_52, %scan3A_53 : i32
    %scan3A_55 = arith.constant 1 : i32
    scf.for %scan3A_68 = %scan3A_52 to %scan3A_54 step %scan3A_55  : i32 {
      %mul3A_69 = arith.constant 3 : i32
      %mul3A_70 = arith.muli %mul3A_69, %scan3A_68 : i32
      %add3A_71 = arith.constant 0 : i32
      %add3A_72 = arith.addi %mul3A_70, %add3A_71 : i32
      %lt3A_73 = arith.constant 50 : i32
      %lt3A_74 = arith.cmpi slt, %add3A_72, %lt3A_73 : i32
      %convert_element_type3A = arith.extui %lt3A_74 : i1 to i32
      %cond3A = arith.constant 0 : i32
      %cond3A_75 = arith.cmpi ne, %convert_element_type3A, %cond3A : i32
      scf.if %cond3A_75 {
        %mul3A_94 = arith.constant 2048 : i32
        %mul3A_95 = arith.muli %add3A_72, %mul3A_94 : i32
        %add3A_96 = arith.addi %mul3A_34, %mul3A_95 : i32
        %dma_wait3A_97 = tpu.memref_slice %arg2[%mul3A_32, %add3A_96] : memref<64x819200xf32, #tpu.memory_space<hbm>> -> memref<16x2048xf32, #tpu.memory_space<hbm>>
        %dma_wait3A_98 = tpu.memref_slice %arg2[%mul3A_32, %add3A_96] : memref<64x819200xf32, #tpu.memory_space<hbm>> -> memref<16x2048xf32, #tpu.memory_space<hbm>>
        tpu.wait_dma2 semaphore(%arg13 : memref<!tpu.dma_semaphore, #tpu.memory_space<semaphore_mem>>) src(%dma_wait3A_98 : memref<16x2048xf32, #tpu.memory_space<hbm>>) dst(%arg7 : memref<16x2048xf32, #tpu.memory_space<vmem>>)
        %mul3A_99 = arith.constant 2048 : i32
        %mul3A_100 = arith.muli %add3A_72, %mul3A_99 : i32
        %add3A_101 = arith.addi %mul3A_34, %mul3A_100 : i32
        %dma_wait3A_102 = tpu.memref_slice %arg3[%add3A_101] : memref<819200xi32, #tpu.memory_space<hbm>> -> memref<2048xi32, #tpu.memory_space<hbm>>
        %dma_wait3A_103 = tpu.memref_slice %arg3[%add3A_101] : memref<819200xi32, #tpu.memory_space<hbm>> -> memref<2048xi32, #tpu.memory_space<hbm>>
        tpu.wait_dma2 semaphore(%arg13 : memref<!tpu.dma_semaphore, #tpu.memory_space<semaphore_mem>>) src(%dma_wait3A_103 : memref<2048xi32, #tpu.memory_space<hbm>>) dst(%arg10 : memref<2048xi32, #tpu.memory_space<vmem>>)
        %parallel_loop3A = arith.constant 0 : i32
        %parallel_loop3A_104 = arith.constant 128 : i32
        %parallel_loop3A_105 = arith.constant 1 : i32
        scf.for %parallel_loop3A_118 = %parallel_loop3A to %parallel_loop3A_104 step %parallel_loop3A_105  : i32 {
          %parallel_loop3A_119 = arith.constant 16 : i32
          %parallel_loop3A_120 = arith.muli %parallel_loop3A_118, %parallel_loop3A_119 : i32
          %parallel_loop3A_121 = arith.index_cast %parallel_loop3A_120 : i32 to index
          %parallel_loop3A_122 = tpu.vector_load %arg10[%parallel_loop3A_121] {strides = array<i32>} : memref<2048xi32, #tpu.memory_space<vmem>>, vector<16xi32>,
          %parallel_loop3A_123 = arith.constant 0 : i32
          %parallel_loop3A_124 = vector.broadcast %parallel_loop3A_123 : i32 to vector<16xi32>
          %parallel_loop3A_125 = arith.addi %parallel_loop3A_122, %parallel_loop3A_124 : vector<16xi32>
          %parallel_loop3A_126 = tpu.vector_load_idx %arg6[%parallel_loop3A_125] : memref<16000xf32, #tpu.memory_space<vmem>>[vector<16xi32>], vector<16xf32>,
          %parallel_loop3A_127 = arith.constant 16 : i32
          %parallel_loop3A_128 = arith.muli %parallel_loop3A_118, %parallel_loop3A_127 : i32
          %parallel_loop3A_129 = arith.constant 0 : i32
          %parallel_loop3A_130 = arith.index_cast %parallel_loop3A_129 : i32 to index
          %parallel_loop3A_131 = arith.index_cast %parallel_loop3A_128 : i32 to index
          %parallel_loop3A_132 = tpu.vector_load %arg7[%parallel_loop3A_130, %parallel_loop3A_131] {strides = array<i32>} : memref<16x2048xf32, #tpu.memory_space<vmem>>, vector<16xf32>,
          tpu.vector_store %arg7[%parallel_loop3A_130, %parallel_loop3A_131], %parallel_loop3A_126 {add = true, strides = array<i32>} : memref<16x2048xf32, #tpu.memory_space<vmem>>, vector<16xf32>,
          %parallel_loop3A_133 = arith.constant 1000 : i32
          %parallel_loop3A_134 = vector.broadcast %parallel_loop3A_133 : i32 to vector<16xi32>
          %parallel_loop3A_135 = arith.addi %parallel_loop3A_122, %parallel_loop3A_134 : vector<16xi32>
          %parallel_loop3A_136 = tpu.vector_load_idx %arg6[%parallel_loop3A_135] : memref<16000xf32, #tpu.memory_space<vmem>>[vector<16xi32>], vector<16xf32>,
          %parallel_loop3A_137 = arith.constant 16 : i32
          %parallel_loop3A_138 = arith.muli %parallel_loop3A_118, %parallel_loop3A_137 : i32
          %parallel_loop3A_139 = arith.constant 1 : i32
          %parallel_loop3A_140 = arith.index_cast %parallel_loop3A_139 : i32 to index
          %parallel_loop3A_141 = arith.index_cast %parallel_loop3A_138 : i32 to index
          %parallel_loop3A_142 = tpu.vector_load %arg7[%parallel_loop3A_140, %parallel_loop3A_141] {strides = array<i32>} : memref<16x2048xf32, #tpu.memory_space<vmem>>, vector<16xf32>,
          tpu.vector_store %arg7[%parallel_loop3A_140, %parallel_loop3A_141], %parallel_loop3A_136 {add = true, strides = array<i32>} : memref<16x2048xf32, #tpu.memory_space<vmem>>, vector<16xf32>,
          %parallel_loop3A_143 = arith.constant 2000 : i32
          %parallel_loop3A_144 = vector.broadcast %parallel_loop3A_143 : i32 to vector<16xi32>
          %parallel_loop3A_145 = arith.addi %parallel_loop3A_122, %parallel_loop3A_144 : vector<16xi32>
          %parallel_loop3A_146 = tpu.vector_load_idx %arg6[%parallel_loop3A_145] : memref<16000xf32, #tpu.memory_space<vmem>>[vector<16xi32>], vector<16xf32>,
          %parallel_loop3A_147 = arith.constant 16 : i32
          %parallel_loop3A_148 = arith.muli %parallel_loop3A_118, %parallel_loop3A_147 : i32
          %parallel_loop3A_149 = arith.constant 2 : i32
          %parallel_loop3A_150 = arith.index_cast %parallel_loop3A_149 : i32 to index
          %parallel_loop3A_151 = arith.index_cast %parallel_loop3A_148 : i32 to index
          %parallel_loop3A_152 = tpu.vector_load %arg7[%parallel_loop3A_150, %parallel_loop3A_151] {strides = array<i32>} : memref<16x2048xf32, #tpu.memory_space<vmem>>, vector<16xf32>,
          tpu.vector_store %arg7[%parallel_loop3A_150, %parallel_loop3A_151], %parallel_loop3A_146 {add = true, strides = array<i32>} : memref<16x2048xf32, #tpu.memory_space<vmem>>, vector<16xf32>,
          %parallel_loop3A_153 = arith.constant 3000 : i32
          %parallel_loop3A_154 = vector.broadcast %parallel_loop3A_153 : i32 to vector<16xi32>
          %parallel_loop3A_155 = arith.addi %parallel_loop3A_122, %parallel_loop3A_154 : vector<16xi32>
          %parallel_loop3A_156 = tpu.vector_load_idx %arg6[%parallel_loop3A_155] : memref<16000xf32, #tpu.memory_space<vmem>>[vector<16xi32>], vector<16xf32>,
          %parallel_loop3A_157 = arith.constant 16 : i32
          %parallel_loop3A_158 = arith.muli %parallel_loop3A_118, %parallel_loop3A_157 : i32
          %parallel_loop3A_159 = arith.constant 3 : i32
          %parallel_loop3A_160 = arith.index_cast %parallel_loop3A_159 : i32 to index
          %parallel_loop3A_161 = arith.index_cast %parallel_loop3A_158 : i32 to index
          %parallel_loop3A_162 = tpu.vector_load %arg7[%parallel_loop3A_160, %parallel_loop3A_161] {strides = array<i32>} : memref<16x2048xf32, #tpu.memory_space<vmem>>, vector<16xf32>,
          tpu.vector_store %arg7[%parallel_loop3A_160, %parallel_loop3A_161], %parallel_loop3A_156 {add = true, strides = array<i32>} : memref<16x2048xf32, #tpu.memory_space<vmem>>, vector<16xf32>,
          %parallel_loop3A_163 = arith.constant 4000 : i32
          %parallel_loop3A_164 = vector.broadcast %parallel_loop3A_163 : i32 to vector<16xi32>
          %parallel_loop3A_165 = arith.addi %parallel_loop3A_122, %parallel_loop3A_164 : vector<16xi32>
          %parallel_loop3A_166 = tpu.vector_load_idx %arg6[%parallel_loop3A_165] : memref<16000xf32, #tpu.memory_space<vmem>>[vector<16xi32>], vector<16xf32>,
          %parallel_loop3A_167 = arith.constant 16 : i32
          %parallel_loop3A_168 = arith.muli %parallel_loop3A_118, %parallel_loop3A_167 : i32
          %parallel_loop3A_169 = arith.constant 4 : i32
          %parallel_loop3A_170 = arith.index_cast %parallel_loop3A_169 : i32 to index
          %parallel_loop3A_171 = arith.index_cast %parallel_loop3A_168 : i32 to index
          %parallel_loop3A_172 = tpu.vector_load %arg7[%parallel_loop3A_170, %parallel_loop3A_171] {strides = array<i32>} : memref<16x2048xf32, #tpu.memory_space<vmem>>, vector<16xf32>,
          tpu.vector_store %arg7[%parallel_loop3A_170, %parallel_loop3A_171], %parallel_loop3A_166 {add = true, strides = array<i32>} : memref<16x2048xf32, #tpu.memory_space<vmem>>, vector<16xf32>,
          %parallel_loop3A_173 = arith.constant 5000 : i32
          %parallel_loop3A_174 = vector.broadcast %parallel_loop3A_173 : i32 to vector<16xi32>
          %parallel_loop3A_175 = arith.addi %parallel_loop3A_122, %parallel_loop3A_174 : vector<16xi32>
          %parallel_loop3A_176 = tpu.vector_load_idx %arg6[%parallel_loop3A_175] : memref<16000xf32, #tpu.memory_space<vmem>>[vector<16xi32>], vector<16xf32>,
          %parallel_loop3A_177 = arith.constant 16 : i32
          %parallel_loop3A_178 = arith.muli %parallel_loop3A_118, %parallel_loop3A_177 : i32
          %parallel_loop3A_179 = arith.constant 5 : i32
          %parallel_loop3A_180 = arith.index_cast %parallel_loop3A_179 : i32 to index
          %parallel_loop3A_181 = arith.index_cast %parallel_loop3A_178 : i32 to index
          %parallel_loop3A_182 = tpu.vector_load %arg7[%parallel_loop3A_180, %parallel_loop3A_181] {strides = array<i32>} : memref<16x2048xf32, #tpu.memory_space<vmem>>, vector<16xf32>,
          tpu.vector_store %arg7[%parallel_loop3A_180, %parallel_loop3A_181], %parallel_loop3A_176 {add = true, strides = array<i32>} : memref<16x2048xf32, #tpu.memory_space<vmem>>, vector<16xf32>,
          %parallel_loop3A_183 = arith.constant 6000 : i32
          %parallel_loop3A_184 = vector.broadcast %parallel_loop3A_183 : i32 to vector<16xi32>
          %parallel_loop3A_185 = arith.addi %parallel_loop3A_122, %parallel_loop3A_184 : vector<16xi32>
          %parallel_loop3A_186 = tpu.vector_load_idx %arg6[%parallel_loop3A_185] : memref<16000xf32, #tpu.memory_space<vmem>>[vector<16xi32>], vector<16xf32>,
          %parallel_loop3A_187 = arith.constant 16 : i32
          %parallel_loop3A_188 = arith.muli %parallel_loop3A_118, %parallel_loop3A_187 : i32
          %parallel_loop3A_189 = arith.constant 6 : i32
          %parallel_loop3A_190 = arith.index_cast %parallel_loop3A_189 : i32 to index
          %parallel_loop3A_191 = arith.index_cast %parallel_loop3A_188 : i32 to index
          %parallel_loop3A_192 = tpu.vector_load %arg7[%parallel_loop3A_190, %parallel_loop3A_191] {strides = array<i32>} : memref<16x2048xf32, #tpu.memory_space<vmem>>, vector<16xf32>,
          tpu.vector_store %arg7[%parallel_loop3A_190, %parallel_loop3A_191], %parallel_loop3A_186 {add = true, strides = array<i32>} : memref<16x2048xf32, #tpu.memory_space<vmem>>, vector<16xf32>,
          %parallel_loop3A_193 = arith.constant 7000 : i32
          %parallel_loop3A_194 = vector.broadcast %parallel_loop3A_193 : i32 to vector<16xi32>
          %parallel_loop3A_195 = arith.addi %parallel_loop3A_122, %parallel_loop3A_194 : vector<16xi32>
          %parallel_loop3A_196 = tpu.vector_load_idx %arg6[%parallel_loop3A_195] : memref<16000xf32, #tpu.memory_space<vmem>>[vector<16xi32>], vector<16xf32>,
          %parallel_loop3A_197 = arith.constant 16 : i32
          %parallel_loop3A_198 = arith.muli %parallel_loop3A_118, %parallel_loop3A_197 : i32
          %parallel_loop3A_199 = arith.constant 7 : i32
          %parallel_loop3A_200 = arith.index_cast %parallel_loop3A_199 : i32 to index
          %parallel_loop3A_201 = arith.index_cast %parallel_loop3A_198 : i32 to index
          %parallel_loop3A_202 = tpu.vector_load %arg7[%parallel_loop3A_200, %parallel_loop3A_201] {strides = array<i32>} : memref<16x2048xf32, #tpu.memory_space<vmem>>, vector<16xf32>,
          tpu.vector_store %arg7[%parallel_loop3A_200, %parallel_loop3A_201], %parallel_loop3A_196 {add = true, strides = array<i32>} : memref<16x2048xf32, #tpu.memory_space<vmem>>, vector<16xf32>,
          %parallel_loop3A_203 = arith.constant 8000 : i32
          %parallel_loop3A_204 = vector.broadcast %parallel_loop3A_203 : i32 to vector<16xi32>
          %parallel_loop3A_205 = arith.addi %parallel_loop3A_122, %parallel_loop3A_204 : vector<16xi32>
          %parallel_loop3A_206 = tpu.vector_load_idx %arg6[%parallel_loop3A_205] : memref<16000xf32, #tpu.memory_space<vmem>>[vector<16xi32>], vector<16xf32>,
          %parallel_loop3A_207 = arith.constant 16 : i32
          %parallel_loop3A_208 = arith.muli %parallel_loop3A_118, %parallel_loop3A_207 : i32
          %parallel_loop3A_209 = arith.constant 8 : i32
          %parallel_loop3A_210 = arith.index_cast %parallel_loop3A_209 : i32 to index
          %parallel_loop3A_211 = arith.index_cast %parallel_loop3A_208 : i32 to index
          %parallel_loop3A_212 = tpu.vector_load %arg7[%parallel_loop3A_210, %parallel_loop3A_211] {strides = array<i32>} : memref<16x2048xf32, #tpu.memory_space<vmem>>, vector<16xf32>,
          tpu.vector_store %arg7[%parallel_loop3A_210, %parallel_loop3A_211], %parallel_loop3A_206 {add = true, strides = array<i32>} : memref<16x2048xf32, #tpu.memory_space<vmem>>, vector<16xf32>,
          %parallel_loop3A_213 = arith.constant 9000 : i32
          %parallel_loop3A_214 = vector.broadcast %parallel_loop3A_213 : i32 to vector<16xi32>
          %parallel_loop3A_215 = arith.addi %parallel_loop3A_122, %parallel_loop3A_214 : vector<16xi32>
          %parallel_loop3A_216 = tpu.vector_load_idx %arg6[%parallel_loop3A_215] : memref<16000xf32, #tpu.memory_space<vmem>>[vector<16xi32>], vector<16xf32>,
          %parallel_loop3A_217 = arith.constant 16 : i32
          %parallel_loop3A_218 = arith.muli %parallel_loop3A_118, %parallel_loop3A_217 : i32
          %parallel_loop3A_219 = arith.constant 9 : i32
          %parallel_loop3A_220 = arith.index_cast %parallel_loop3A_219 : i32 to index
          %parallel_loop3A_221 = arith.index_cast %parallel_loop3A_218 : i32 to index
          %parallel_loop3A_222 = tpu.vector_load %arg7[%parallel_loop3A_220, %parallel_loop3A_221] {strides = array<i32>} : memref<16x2048xf32, #tpu.memory_space<vmem>>, vector<16xf32>,
          tpu.vector_store %arg7[%parallel_loop3A_220, %parallel_loop3A_221], %parallel_loop3A_216 {add = true, strides = array<i32>} : memref<16x2048xf32, #tpu.memory_space<vmem>>, vector<16xf32>,
          %parallel_loop3A_223 = arith.constant 10000 : i32
          %parallel_loop3A_224 = vector.broadcast %parallel_loop3A_223 : i32 to vector<16xi32>
          %parallel_loop3A_225 = arith.addi %parallel_loop3A_122, %parallel_loop3A_224 : vector<16xi32>
          %parallel_loop3A_226 = tpu.vector_load_idx %arg6[%parallel_loop3A_225] : memref<16000xf32, #tpu.memory_space<vmem>>[vector<16xi32>], vector<16xf32>,
          %parallel_loop3A_227 = arith.constant 16 : i32
          %parallel_loop3A_228 = arith.muli %parallel_loop3A_118, %parallel_loop3A_227 : i32
          %parallel_loop3A_229 = arith.constant 10 : i32
          %parallel_loop3A_230 = arith.index_cast %parallel_loop3A_229 : i32 to index
          %parallel_loop3A_231 = arith.index_cast %parallel_loop3A_228 : i32 to index
          %parallel_loop3A_232 = tpu.vector_load %arg7[%parallel_loop3A_230, %parallel_loop3A_231] {strides = array<i32>} : memref<16x2048xf32, #tpu.memory_space<vmem>>, vector<16xf32>,
          tpu.vector_store %arg7[%parallel_loop3A_230, %parallel_loop3A_231], %parallel_loop3A_226 {add = true, strides = array<i32>} : memref<16x2048xf32, #tpu.memory_space<vmem>>, vector<16xf32>,
          %parallel_loop3A_233 = arith.constant 11000 : i32
          %parallel_loop3A_234 = vector.broadcast %parallel_loop3A_233 : i32 to vector<16xi32>
          %parallel_loop3A_235 = arith.addi %parallel_loop3A_122, %parallel_loop3A_234 : vector<16xi32>
          %parallel_loop3A_236 = tpu.vector_load_idx %arg6[%parallel_loop3A_235] : memref<16000xf32, #tpu.memory_space<vmem>>[vector<16xi32>], vector<16xf32>,
          %parallel_loop3A_237 = arith.constant 16 : i32
          %parallel_loop3A_238 = arith.muli %parallel_loop3A_118, %parallel_loop3A_237 : i32
          %parallel_loop3A_239 = arith.constant 11 : i32
          %parallel_loop3A_240 = arith.index_cast %parallel_loop3A_239 : i32 to index
          %parallel_loop3A_241 = arith.index_cast %parallel_loop3A_238 : i32 to index
          %parallel_loop3A_242 = tpu.vector_load %arg7[%parallel_loop3A_240, %parallel_loop3A_241] {strides = array<i32>} : memref<16x2048xf32, #tpu.memory_space<vmem>>, vector<16xf32>,
          tpu.vector_store %arg7[%parallel_loop3A_240, %parallel_loop3A_241], %parallel_loop3A_236 {add = true, strides = array<i32>} : memref<16x2048xf32, #tpu.memory_space<vmem>>, vector<16xf32>,
          %parallel_loop3A_243 = arith.constant 12000 : i32
          %parallel_loop3A_244 = vector.broadcast %parallel_loop3A_243 : i32 to vector<16xi32>
          %parallel_loop3A_245 = arith.addi %parallel_loop3A_122, %parallel_loop3A_244 : vector<16xi32>
          %parallel_loop3A_246 = tpu.vector_load_idx %arg6[%parallel_loop3A_245] : memref<16000xf32, #tpu.memory_space<vmem>>[vector<16xi32>], vector<16xf32>,
          %parallel_loop3A_247 = arith.constant 16 : i32
          %parallel_loop3A_248 = arith.muli %parallel_loop3A_118, %parallel_loop3A_247 : i32
          %parallel_loop3A_249 = arith.constant 12 : i32
          %parallel_loop3A_250 = arith.index_cast %parallel_loop3A_249 : i32 to index
          %parallel_loop3A_251 = arith.index_cast %parallel_loop3A_248 : i32 to index
          %parallel_loop3A_252 = tpu.vector_load %arg7[%parallel_loop3A_250, %parallel_loop3A_251] {strides = array<i32>} : memref<16x2048xf32, #tpu.memory_space<vmem>>, vector<16xf32>,
          tpu.vector_store %arg7[%parallel_loop3A_250, %parallel_loop3A_251], %parallel_loop3A_246 {add = true, strides = array<i32>} : memref<16x2048xf32, #tpu.memory_space<vmem>>, vector<16xf32>,
          %parallel_loop3A_253 = arith.constant 13000 : i32
          %parallel_loop3A_254 = vector.broadcast %parallel_loop3A_253 : i32 to vector<16xi32>
          %parallel_loop3A_255 = arith.addi %parallel_loop3A_122, %parallel_loop3A_254 : vector<16xi32>
          %parallel_loop3A_256 = tpu.vector_load_idx %arg6[%parallel_loop3A_255] : memref<16000xf32, #tpu.memory_space<vmem>>[vector<16xi32>], vector<16xf32>,
          %parallel_loop3A_257 = arith.constant 16 : i32
          %parallel_loop3A_258 = arith.muli %parallel_loop3A_118, %parallel_loop3A_257 : i32
          %parallel_loop3A_259 = arith.constant 13 : i32
          %parallel_loop3A_260 = arith.index_cast %parallel_loop3A_259 : i32 to index
          %parallel_loop3A_261 = arith.index_cast %parallel_loop3A_258 : i32 to index
          %parallel_loop3A_262 = tpu.vector_load %arg7[%parallel_loop3A_260, %parallel_loop3A_261] {strides = array<i32>} : memref<16x2048xf32, #tpu.memory_space<vmem>>, vector<16xf32>,
          tpu.vector_store %arg7[%parallel_loop3A_260, %parallel_loop3A_261], %parallel_loop3A_256 {add = true, strides = array<i32>} : memref<16x2048xf32, #tpu.memory_space<vmem>>, vector<16xf32>,
          %parallel_loop3A_263 = arith.constant 14000 : i32
          %parallel_loop3A_264 = vector.broadcast %parallel_loop3A_263 : i32 to vector<16xi32>
          %parallel_loop3A_265 = arith.addi %parallel_loop3A_122, %parallel_loop3A_264 : vector<16xi32>
          %parallel_loop3A_266 = tpu.vector_load_idx %arg6[%parallel_loop3A_265] : memref<16000xf32, #tpu.memory_space<vmem>>[vector<16xi32>], vector<16xf32>,
          %parallel_loop3A_267 = arith.constant 16 : i32
          %parallel_loop3A_268 = arith.muli %parallel_loop3A_118, %parallel_loop3A_267 : i32
          %parallel_loop3A_269 = arith.constant 14 : i32
          %parallel_loop3A_270 = arith.index_cast %parallel_loop3A_269 : i32 to index
          %parallel_loop3A_271 = arith.index_cast %parallel_loop3A_268 : i32 to index
          %parallel_loop3A_272 = tpu.vector_load %arg7[%parallel_loop3A_270, %parallel_loop3A_271] {strides = array<i32>} : memref<16x2048xf32, #tpu.memory_space<vmem>>, vector<16xf32>,
          tpu.vector_store %arg7[%parallel_loop3A_270, %parallel_loop3A_271], %parallel_loop3A_266 {add = true, strides = array<i32>} : memref<16x2048xf32, #tpu.memory_space<vmem>>, vector<16xf32>,
          %parallel_loop3A_273 = arith.constant 15000 : i32
          %parallel_loop3A_274 = vector.broadcast %parallel_loop3A_273 : i32 to vector<16xi32>
          %parallel_loop3A_275 = arith.addi %parallel_loop3A_122, %parallel_loop3A_274 : vector<16xi32>
          %parallel_loop3A_276 = tpu.vector_load_idx %arg6[%parallel_loop3A_275] : memref<16000xf32, #tpu.memory_space<vmem>>[vector<16xi32>], vector<16xf32>,
          %parallel_loop3A_277 = arith.constant 16 : i32
          %parallel_loop3A_278 = arith.muli %parallel_loop3A_118, %parallel_loop3A_277 : i32
          %parallel_loop3A_279 = arith.constant 15 : i32
          %parallel_loop3A_280 = arith.index_cast %parallel_loop3A_279 : i32 to index
          %parallel_loop3A_281 = arith.index_cast %parallel_loop3A_278 : i32 to index
          %parallel_loop3A_282 = tpu.vector_load %arg7[%parallel_loop3A_280, %parallel_loop3A_281] {strides = array<i32>} : memref<16x2048xf32, #tpu.memory_space<vmem>>, vector<16xf32>,
          tpu.vector_store %arg7[%parallel_loop3A_280, %parallel_loop3A_281], %parallel_loop3A_276 {add = true, strides = array<i32>} : memref<16x2048xf32, #tpu.memory_space<vmem>>, vector<16xf32>,
        } {sc.loop_unroll_factor = 1 : i64, sc.parallel_access}
        %mul3A_106 = arith.constant 2048 : i32
        %mul3A_107 = arith.muli %add3A_72, %mul3A_106 : i32
        %add3A_108 = arith.addi %mul3A_34, %mul3A_107 : i32
        %dma_start3A_109 = tpu.memref_slice %arg5[%mul3A_32, %add3A_108] : memref<64x819200xf32, #tpu.memory_space<hbm>> -> memref<16x2048xf32, #tpu.memory_space<hbm>>
        %dma_start3A_110 = tpu.memref_slice %arg5[%mul3A_32, %add3A_108] : memref<64x819200xf32, #tpu.memory_space<hbm>> -> memref<16x2048xf32, #tpu.memory_space<hbm>>
        tpu.enqueue_dma source(%arg7 : memref<16x2048xf32, #tpu.memory_space<vmem>>) target(%dma_start3A_110 : memref<16x2048xf32, #tpu.memory_space<hbm>>) target_semaphore(%arg16 : memref<!tpu.dma_semaphore, #tpu.memory_space<semaphore_mem>>)
        %add3A_111 = arith.constant 2 : i32
        %add3A_112 = arith.addi %add3A_72, %add3A_111 : i32
        %lt3A_113 = arith.constant 50 : i32
        %lt3A_114 = arith.cmpi slt, %add3A_112, %lt3A_113 : i32
        %convert_element_type3A_115 = arith.extui %lt3A_114 : i1 to i32
        %cond3A_116 = arith.constant 0 : i32
        %cond3A_117 = arith.cmpi ne, %convert_element_type3A_115, %cond3A_116 : i32
        scf.if %cond3A_117 {
          %ge3A = arith.constant 1 : i32
          %ge3A_118 = arith.cmpi sge, %add3A_72, %ge3A : i32
          %convert_element_type3A_119 = arith.extui %ge3A_118 : i1 to i32
          %cond3A_120 = arith.constant 0 : i32
          %cond3A_121 = arith.cmpi ne, %convert_element_type3A_119, %cond3A_120 : i32
          scf.if %cond3A_121 {
            %sub3A_136 = arith.constant 1 : i32
            %sub3A_137 = arith.subi %add3A_72, %sub3A_136 : i32
            %mul3A_138 = arith.constant 2048 : i32
            %mul3A_139 = arith.muli %sub3A_137, %mul3A_138 : i32
            %add3A_140 = arith.addi %mul3A_34, %mul3A_139 : i32
            %dma_wait3A_141 = tpu.memref_slice %arg5[%mul3A_32, %add3A_140] : memref<64x819200xf32, #tpu.memory_space<hbm>> -> memref<16x2048xf32, #tpu.memory_space<hbm>>
            %dma_wait3A_142 = tpu.memref_slice %arg5[%mul3A_32, %add3A_140] : memref<64x819200xf32, #tpu.memory_space<hbm>> -> memref<16x2048xf32, #tpu.memory_space<hbm>>
            tpu.wait_dma2 semaphore(%arg18 : memref<!tpu.dma_semaphore, #tpu.memory_space<semaphore_mem>>) src(%arg9 : memref<16x2048xf32, #tpu.memory_space<vmem>>) dst(%dma_wait3A_142 : memref<16x2048xf32, #tpu.memory_space<hbm>>)
          } else {
          }
          %add3A_122 = arith.constant 2 : i32
          %add3A_123 = arith.addi %add3A_72, %add3A_122 : i32
          %mul3A_124 = arith.constant 2048 : i32
          %mul3A_125 = arith.muli %add3A_123, %mul3A_124 : i32
          %add3A_126 = arith.addi %mul3A_34, %mul3A_125 : i32
          %dma_start3A_127 = tpu.memref_slice %arg2[%mul3A_32, %add3A_126] : memref<64x819200xf32, #tpu.memory_space<hbm>> -> memref<16x2048xf32, #tpu.memory_space<hbm>>
          %dma_start3A_128 = tpu.memref_slice %arg2[%mul3A_32, %add3A_126] : memref<64x819200xf32, #tpu.memory_space<hbm>> -> memref<16x2048xf32, #tpu.memory_space<hbm>>
          tpu.enqueue_dma source(%dma_start3A_128 : memref<16x2048xf32, #tpu.memory_space<hbm>>) target(%arg9 : memref<16x2048xf32, #tpu.memory_space<vmem>>) target_semaphore(%arg15 : memref<!tpu.dma_semaphore, #tpu.memory_space<semaphore_mem>>)
          %add3A_129 = arith.constant 2 : i32
          %add3A_130 = arith.addi %add3A_72, %add3A_129 : i32
          %mul3A_131 = arith.constant 2048 : i32
          %mul3A_132 = arith.muli %add3A_130, %mul3A_131 : i32
          %add3A_133 = arith.addi %mul3A_34, %mul3A_132 : i32
          %dma_start3A_134 = tpu.memref_slice %arg3[%add3A_133] : memref<819200xi32, #tpu.memory_space<hbm>> -> memref<2048xi32, #tpu.memory_space<hbm>>
          %dma_start3A_135 = tpu.memref_slice %arg3[%add3A_133] : memref<819200xi32, #tpu.memory_space<hbm>> -> memref<2048xi32, #tpu.memory_space<hbm>>
          tpu.enqueue_dma source(%dma_start3A_135 : memref<2048xi32, #tpu.memory_space<hbm>>) target(%arg12 : memref<2048xi32, #tpu.memory_space<vmem>>) target_semaphore(%arg15 : memref<!tpu.dma_semaphore, #tpu.memory_space<semaphore_mem>>)
        } else {
        }
      } else {
      }
      %mul3A_76 = arith.constant 3 : i32
      %mul3A_77 = arith.muli %mul3A_76, %scan3A_68 : i32
      %add3A_78 = arith.constant 1 : i32
      %add3A_79 = arith.addi %mul3A_77, %add3A_78 : i32
      %lt3A_80 = arith.constant 50 : i32
      %lt3A_81 = arith.cmpi slt, %add3A_79, %lt3A_80 : i32
      %convert_element_type3A_82 = arith.extui %lt3A_81 : i1 to i32
      %cond3A_83 = arith.constant 0 : i32
      %cond3A_84 = arith.cmpi ne, %convert_element_type3A_82, %cond3A_83 : i32
      scf.if %cond3A_84 {
        %mul3A_94 = arith.constant 2048 : i32
        %mul3A_95 = arith.muli %add3A_79, %mul3A_94 : i32
        %add3A_96 = arith.addi %mul3A_34, %mul3A_95 : i32
        %dma_wait3A_97 = tpu.memref_slice %arg2[%mul3A_32, %add3A_96] : memref<64x819200xf32, #tpu.memory_space<hbm>> -> memref<16x2048xf32, #tpu.memory_space<hbm>>
        %dma_wait3A_98 = tpu.memref_slice %arg2[%mul3A_32, %add3A_96] : memref<64x819200xf32, #tpu.memory_space<hbm>> -> memref<16x2048xf32, #tpu.memory_space<hbm>>
        tpu.wait_dma2 semaphore(%arg14 : memref<!tpu.dma_semaphore, #tpu.memory_space<semaphore_mem>>) src(%dma_wait3A_98 : memref<16x2048xf32, #tpu.memory_space<hbm>>) dst(%arg8 : memref<16x2048xf32, #tpu.memory_space<vmem>>)
        %mul3A_99 = arith.constant 2048 : i32
        %mul3A_100 = arith.muli %add3A_79, %mul3A_99 : i32
        %add3A_101 = arith.addi %mul3A_34, %mul3A_100 : i32
        %dma_wait3A_102 = tpu.memref_slice %arg3[%add3A_101] : memref<819200xi32, #tpu.memory_space<hbm>> -> memref<2048xi32, #tpu.memory_space<hbm>>
        %dma_wait3A_103 = tpu.memref_slice %arg3[%add3A_101] : memref<819200xi32, #tpu.memory_space<hbm>> -> memref<2048xi32, #tpu.memory_space<hbm>>
        tpu.wait_dma2 semaphore(%arg14 : memref<!tpu.dma_semaphore, #tpu.memory_space<semaphore_mem>>) src(%dma_wait3A_103 : memref<2048xi32, #tpu.memory_space<hbm>>) dst(%arg11 : memref<2048xi32, #tpu.memory_space<vmem>>)
        %parallel_loop3A = arith.constant 0 : i32
        %parallel_loop3A_104 = arith.constant 128 : i32
        %parallel_loop3A_105 = arith.constant 1 : i32
        scf.for %parallel_loop3A_118 = %parallel_loop3A to %parallel_loop3A_104 step %parallel_loop3A_105  : i32 {
          %parallel_loop3A_119 = arith.constant 16 : i32
          %parallel_loop3A_120 = arith.muli %parallel_loop3A_118, %parallel_loop3A_119 : i32
          %parallel_loop3A_121 = arith.index_cast %parallel_loop3A_120 : i32 to index
          %parallel_loop3A_122 = tpu.vector_load %arg11[%parallel_loop3A_121] {strides = array<i32>} : memref<2048xi32, #tpu.memory_space<vmem>>, vector<16xi32>,
          %parallel_loop3A_123 = arith.constant 0 : i32
          %parallel_loop3A_124 = vector.broadcast %parallel_loop3A_123 : i32 to vector<16xi32>
          %parallel_loop3A_125 = arith.addi %parallel_loop3A_122, %parallel_loop3A_124 : vector<16xi32>
          %parallel_loop3A_126 = tpu.vector_load_idx %arg6[%parallel_loop3A_125] : memref<16000xf32, #tpu.memory_space<vmem>>[vector<16xi32>], vector<16xf32>,
          %parallel_loop3A_127 = arith.constant 16 : i32
          %parallel_loop3A_128 = arith.muli %parallel_loop3A_118, %parallel_loop3A_127 : i32
          %parallel_loop3A_129 = arith.constant 0 : i32
          %parallel_loop3A_130 = arith.index_cast %parallel_loop3A_129 : i32 to index
          %parallel_loop3A_131 = arith.index_cast %parallel_loop3A_128 : i32 to index
          %parallel_loop3A_132 = tpu.vector_load %arg8[%parallel_loop3A_130, %parallel_loop3A_131] {strides = array<i32>} : memref<16x2048xf32, #tpu.memory_space<vmem>>, vector<16xf32>,
          tpu.vector_store %arg8[%parallel_loop3A_130, %parallel_loop3A_131], %parallel_loop3A_126 {add = true, strides = array<i32>} : memref<16x2048xf32, #tpu.memory_space<vmem>>, vector<16xf32>,
          %parallel_loop3A_133 = arith.constant 1000 : i32
          %parallel_loop3A_134 = vector.broadcast %parallel_loop3A_133 : i32 to vector<16xi32>
          %parallel_loop3A_135 = arith.addi %parallel_loop3A_122, %parallel_loop3A_134 : vector<16xi32>
          %parallel_loop3A_136 = tpu.vector_load_idx %arg6[%parallel_loop3A_135] : memref<16000xf32, #tpu.memory_space<vmem>>[vector<16xi32>], vector<16xf32>,
          %parallel_loop3A_137 = arith.constant 16 : i32
          %parallel_loop3A_138 = arith.muli %parallel_loop3A_118, %parallel_loop3A_137 : i32
          %parallel_loop3A_139 = arith.constant 1 : i32
          %parallel_loop3A_140 = arith.index_cast %parallel_loop3A_139 : i32 to index
          %parallel_loop3A_141 = arith.index_cast %parallel_loop3A_138 : i32 to index
          %parallel_loop3A_142 = tpu.vector_load %arg8[%parallel_loop3A_140, %parallel_loop3A_141] {strides = array<i32>} : memref<16x2048xf32, #tpu.memory_space<vmem>>, vector<16xf32>,
          tpu.vector_store %arg8[%parallel_loop3A_140, %parallel_loop3A_141], %parallel_loop3A_136 {add = true, strides = array<i32>} : memref<16x2048xf32, #tpu.memory_space<vmem>>, vector<16xf32>,
          %parallel_loop3A_143 = arith.constant 2000 : i32
          %parallel_loop3A_144 = vector.broadcast %parallel_loop3A_143 : i32 to vector<16xi32>
          %parallel_loop3A_145 = arith.addi %parallel_loop3A_122, %parallel_loop3A_144 : vector<16xi32>
          %parallel_loop3A_146 = tpu.vector_load_idx %arg6[%parallel_loop3A_145] : memref<16000xf32, #tpu.memory_space<vmem>>[vector<16xi32>], vector<16xf32>,
          %parallel_loop3A_147 = arith.constant 16 : i32
          %parallel_loop3A_148 = arith.muli %parallel_loop3A_118, %parallel_loop3A_147 : i32
          %parallel_loop3A_149 = arith.constant 2 : i32
          %parallel_loop3A_150 = arith.index_cast %parallel_loop3A_149 : i32 to index
          %parallel_loop3A_151 = arith.index_cast %parallel_loop3A_148 : i32 to index
          %parallel_loop3A_152 = tpu.vector_load %arg8[%parallel_loop3A_150, %parallel_loop3A_151] {strides = array<i32>} : memref<16x2048xf32, #tpu.memory_space<vmem>>, vector<16xf32>,
          tpu.vector_store %arg8[%parallel_loop3A_150, %parallel_loop3A_151], %parallel_loop3A_146 {add = true, strides = array<i32>} : memref<16x2048xf32, #tpu.memory_space<vmem>>, vector<16xf32>,
          %parallel_loop3A_153 = arith.constant 3000 : i32
          %parallel_loop3A_154 = vector.broadcast %parallel_loop3A_153 : i32 to vector<16xi32>
          %parallel_loop3A_155 = arith.addi %parallel_loop3A_122, %parallel_loop3A_154 : vector<16xi32>
          %parallel_loop3A_156 = tpu.vector_load_idx %arg6[%parallel_loop3A_155] : memref<16000xf32, #tpu.memory_space<vmem>>[vector<16xi32>], vector<16xf32>,
          %parallel_loop3A_157 = arith.constant 16 : i32
          %parallel_loop3A_158 = arith.muli %parallel_loop3A_118, %parallel_loop3A_157 : i32
          %parallel_loop3A_159 = arith.constant 3 : i32
          %parallel_loop3A_160 = arith.index_cast %parallel_loop3A_159 : i32 to index
          %parallel_loop3A_161 = arith.index_cast %parallel_loop3A_158 : i32 to index
          %parallel_loop3A_162 = tpu.vector_load %arg8[%parallel_loop3A_160, %parallel_loop3A_161] {strides = array<i32>} : memref<16x2048xf32, #tpu.memory_space<vmem>>, vector<16xf32>,
          tpu.vector_store %arg8[%parallel_loop3A_160, %parallel_loop3A_161], %parallel_loop3A_156 {add = true, strides = array<i32>} : memref<16x2048xf32, #tpu.memory_space<vmem>>, vector<16xf32>,
          %parallel_loop3A_163 = arith.constant 4000 : i32
          %parallel_loop3A_164 = vector.broadcast %parallel_loop3A_163 : i32 to vector<16xi32>
          %parallel_loop3A_165 = arith.addi %parallel_loop3A_122, %parallel_loop3A_164 : vector<16xi32>
          %parallel_loop3A_166 = tpu.vector_load_idx %arg6[%parallel_loop3A_165] : memref<16000xf32, #tpu.memory_space<vmem>>[vector<16xi32>], vector<16xf32>,
          %parallel_loop3A_167 = arith.constant 16 : i32
          %parallel_loop3A_168 = arith.muli %parallel_loop3A_118, %parallel_loop3A_167 : i32
          %parallel_loop3A_169 = arith.constant 4 : i32
          %parallel_loop3A_170 = arith.index_cast %parallel_loop3A_169 : i32 to index
          %parallel_loop3A_171 = arith.index_cast %parallel_loop3A_168 : i32 to index
          %parallel_loop3A_172 = tpu.vector_load %arg8[%parallel_loop3A_170, %parallel_loop3A_171] {strides = array<i32>} : memref<16x2048xf32, #tpu.memory_space<vmem>>, vector<16xf32>,
          tpu.vector_store %arg8[%parallel_loop3A_170, %parallel_loop3A_171], %parallel_loop3A_166 {add = true, strides = array<i32>} : memref<16x2048xf32, #tpu.memory_space<vmem>>, vector<16xf32>,
          %parallel_loop3A_173 = arith.constant 5000 : i32
          %parallel_loop3A_174 = vector.broadcast %parallel_loop3A_173 : i32 to vector<16xi32>
          %parallel_loop3A_175 = arith.addi %parallel_loop3A_122, %parallel_loop3A_174 : vector<16xi32>
          %parallel_loop3A_176 = tpu.vector_load_idx %arg6[%parallel_loop3A_175] : memref<16000xf32, #tpu.memory_space<vmem>>[vector<16xi32>], vector<16xf32>,
          %parallel_loop3A_177 = arith.constant 16 : i32
          %parallel_loop3A_178 = arith.muli %parallel_loop3A_118, %parallel_loop3A_177 : i32
          %parallel_loop3A_179 = arith.constant 5 : i32
          %parallel_loop3A_180 = arith.index_cast %parallel_loop3A_179 : i32 to index
          %parallel_loop3A_181 = arith.index_cast %parallel_loop3A_178 : i32 to index
          %parallel_loop3A_182 = tpu.vector_load %arg8[%parallel_loop3A_180, %parallel_loop3A_181] {strides = array<i32>} : memref<16x2048xf32, #tpu.memory_space<vmem>>, vector<16xf32>,
          tpu.vector_store %arg8[%parallel_loop3A_180, %parallel_loop3A_181], %parallel_loop3A_176 {add = true, strides = array<i32>} : memref<16x2048xf32, #tpu.memory_space<vmem>>, vector<16xf32>,
          %parallel_loop3A_183 = arith.constant 6000 : i32
          %parallel_loop3A_184 = vector.broadcast %parallel_loop3A_183 : i32 to vector<16xi32>
          %parallel_loop3A_185 = arith.addi %parallel_loop3A_122, %parallel_loop3A_184 : vector<16xi32>
          %parallel_loop3A_186 = tpu.vector_load_idx %arg6[%parallel_loop3A_185] : memref<16000xf32, #tpu.memory_space<vmem>>[vector<16xi32>], vector<16xf32>,
          %parallel_loop3A_187 = arith.constant 16 : i32
          %parallel_loop3A_188 = arith.muli %parallel_loop3A_118, %parallel_loop3A_187 : i32
          %parallel_loop3A_189 = arith.constant 6 : i32
          %parallel_loop3A_190 = arith.index_cast %parallel_loop3A_189 : i32 to index
          %parallel_loop3A_191 = arith.index_cast %parallel_loop3A_188 : i32 to index
          %parallel_loop3A_192 = tpu.vector_load %arg8[%parallel_loop3A_190, %parallel_loop3A_191] {strides = array<i32>} : memref<16x2048xf32, #tpu.memory_space<vmem>>, vector<16xf32>,
          tpu.vector_store %arg8[%parallel_loop3A_190, %parallel_loop3A_191], %parallel_loop3A_186 {add = true, strides = array<i32>} : memref<16x2048xf32, #tpu.memory_space<vmem>>, vector<16xf32>,
          %parallel_loop3A_193 = arith.constant 7000 : i32
          %parallel_loop3A_194 = vector.broadcast %parallel_loop3A_193 : i32 to vector<16xi32>
          %parallel_loop3A_195 = arith.addi %parallel_loop3A_122, %parallel_loop3A_194 : vector<16xi32>
          %parallel_loop3A_196 = tpu.vector_load_idx %arg6[%parallel_loop3A_195] : memref<16000xf32, #tpu.memory_space<vmem>>[vector<16xi32>], vector<16xf32>,
          %parallel_loop3A_197 = arith.constant 16 : i32
          %parallel_loop3A_198 = arith.muli %parallel_loop3A_118, %parallel_loop3A_197 : i32
          %parallel_loop3A_199 = arith.constant 7 : i32
          %parallel_loop3A_200 = arith.index_cast %parallel_loop3A_199 : i32 to index
          %parallel_loop3A_201 = arith.index_cast %parallel_loop3A_198 : i32 to index
          %parallel_loop3A_202 = tpu.vector_load %arg8[%parallel_loop3A_200, %parallel_loop3A_201] {strides = array<i32>} : memref<16x2048xf32, #tpu.memory_space<vmem>>, vector<16xf32>,
          tpu.vector_store %arg8[%parallel_loop3A_200, %parallel_loop3A_201], %parallel_loop3A_196 {add = true, strides = array<i32>} : memref<16x2048xf32, #tpu.memory_space<vmem>>, vector<16xf32>,
          %parallel_loop3A_203 = arith.constant 8000 : i32
          %parallel_loop3A_204 = vector.broadcast %parallel_loop3A_203 : i32 to vector<16xi32>
          %parallel_loop3A_205 = arith.addi %parallel_loop3A_122, %parallel_loop3A_204 : vector<16xi32>
          %parallel_loop3A_206 = tpu.vector_load_idx %arg6[%parallel_loop3A_205] : memref<16000xf32, #tpu.memory_space<vmem>>[vector<16xi32>], vector<16xf32>,
          %parallel_loop3A_207 = arith.constant 16 : i32
          %parallel_loop3A_208 = arith.muli %parallel_loop3A_118, %parallel_loop3A_207 : i32
          %parallel_loop3A_209 = arith.constant 8 : i32
          %parallel_loop3A_210 = arith.index_cast %parallel_loop3A_209 : i32 to index
          %parallel_loop3A_211 = arith.index_cast %parallel_loop3A_208 : i32 to index
          %parallel_loop3A_212 = tpu.vector_load %arg8[%parallel_loop3A_210, %parallel_loop3A_211] {strides = array<i32>} : memref<16x2048xf32, #tpu.memory_space<vmem>>, vector<16xf32>,
          tpu.vector_store %arg8[%parallel_loop3A_210, %parallel_loop3A_211], %parallel_loop3A_206 {add = true, strides = array<i32>} : memref<16x2048xf32, #tpu.memory_space<vmem>>, vector<16xf32>,
          %parallel_loop3A_213 = arith.constant 9000 : i32
          %parallel_loop3A_214 = vector.broadcast %parallel_loop3A_213 : i32 to vector<16xi32>
          %parallel_loop3A_215 = arith.addi %parallel_loop3A_122, %parallel_loop3A_214 : vector<16xi32>
          %parallel_loop3A_216 = tpu.vector_load_idx %arg6[%parallel_loop3A_215] : memref<16000xf32, #tpu.memory_space<vmem>>[vector<16xi32>], vector<16xf32>,
          %parallel_loop3A_217 = arith.constant 16 : i32
          %parallel_loop3A_218 = arith.muli %parallel_loop3A_118, %parallel_loop3A_217 : i32
          %parallel_loop3A_219 = arith.constant 9 : i32
          %parallel_loop3A_220 = arith.index_cast %parallel_loop3A_219 : i32 to index
          %parallel_loop3A_221 = arith.index_cast %parallel_loop3A_218 : i32 to index
          %parallel_loop3A_222 = tpu.vector_load %arg8[%parallel_loop3A_220, %parallel_loop3A_221] {strides = array<i32>} : memref<16x2048xf32, #tpu.memory_space<vmem>>, vector<16xf32>,
          tpu.vector_store %arg8[%parallel_loop3A_220, %parallel_loop3A_221], %parallel_loop3A_216 {add = true, strides = array<i32>} : memref<16x2048xf32, #tpu.memory_space<vmem>>, vector<16xf32>,
          %parallel_loop3A_223 = arith.constant 10000 : i32
          %parallel_loop3A_224 = vector.broadcast %parallel_loop3A_223 : i32 to vector<16xi32>
          %parallel_loop3A_225 = arith.addi %parallel_loop3A_122, %parallel_loop3A_224 : vector<16xi32>
          %parallel_loop3A_226 = tpu.vector_load_idx %arg6[%parallel_loop3A_225] : memref<16000xf32, #tpu.memory_space<vmem>>[vector<16xi32>], vector<16xf32>,
          %parallel_loop3A_227 = arith.constant 16 : i32
          %parallel_loop3A_228 = arith.muli %parallel_loop3A_118, %parallel_loop3A_227 : i32
          %parallel_loop3A_229 = arith.constant 10 : i32
          %parallel_loop3A_230 = arith.index_cast %parallel_loop3A_229 : i32 to index
          %parallel_loop3A_231 = arith.index_cast %parallel_loop3A_228 : i32 to index
          %parallel_loop3A_232 = tpu.vector_load %arg8[%parallel_loop3A_230, %parallel_loop3A_231] {strides = array<i32>} : memref<16x2048xf32, #tpu.memory_space<vmem>>, vector<16xf32>,
          tpu.vector_store %arg8[%parallel_loop3A_230, %parallel_loop3A_231], %parallel_loop3A_226 {add = true, strides = array<i32>} : memref<16x2048xf32, #tpu.memory_space<vmem>>, vector<16xf32>,
          %parallel_loop3A_233 = arith.constant 11000 : i32
          %parallel_loop3A_234 = vector.broadcast %parallel_loop3A_233 : i32 to vector<16xi32>
          %parallel_loop3A_235 = arith.addi %parallel_loop3A_122, %parallel_loop3A_234 : vector<16xi32>
          %parallel_loop3A_236 = tpu.vector_load_idx %arg6[%parallel_loop3A_235] : memref<16000xf32, #tpu.memory_space<vmem>>[vector<16xi32>], vector<16xf32>,
          %parallel_loop3A_237 = arith.constant 16 : i32
          %parallel_loop3A_238 = arith.muli %parallel_loop3A_118, %parallel_loop3A_237 : i32
          %parallel_loop3A_239 = arith.constant 11 : i32
          %parallel_loop3A_240 = arith.index_cast %parallel_loop3A_239 : i32 to index
          %parallel_loop3A_241 = arith.index_cast %parallel_loop3A_238 : i32 to index
          %parallel_loop3A_242 = tpu.vector_load %arg8[%parallel_loop3A_240, %parallel_loop3A_241] {strides = array<i32>} : memref<16x2048xf32, #tpu.memory_space<vmem>>, vector<16xf32>,
          tpu.vector_store %arg8[%parallel_loop3A_240, %parallel_loop3A_241], %parallel_loop3A_236 {add = true, strides = array<i32>} : memref<16x2048xf32, #tpu.memory_space<vmem>>, vector<16xf32>,
          %parallel_loop3A_243 = arith.constant 12000 : i32
          %parallel_loop3A_244 = vector.broadcast %parallel_loop3A_243 : i32 to vector<16xi32>
          %parallel_loop3A_245 = arith.addi %parallel_loop3A_122, %parallel_loop3A_244 : vector<16xi32>
          %parallel_loop3A_246 = tpu.vector_load_idx %arg6[%parallel_loop3A_245] : memref<16000xf32, #tpu.memory_space<vmem>>[vector<16xi32>], vector<16xf32>,
          %parallel_loop3A_247 = arith.constant 16 : i32
          %parallel_loop3A_248 = arith.muli %parallel_loop3A_118, %parallel_loop3A_247 : i32
          %parallel_loop3A_249 = arith.constant 12 : i32
          %parallel_loop3A_250 = arith.index_cast %parallel_loop3A_249 : i32 to index
          %parallel_loop3A_251 = arith.index_cast %parallel_loop3A_248 : i32 to index
          %parallel_loop3A_252 = tpu.vector_load %arg8[%parallel_loop3A_250, %parallel_loop3A_251] {strides = array<i32>} : memref<16x2048xf32, #tpu.memory_space<vmem>>, vector<16xf32>,
          tpu.vector_store %arg8[%parallel_loop3A_250, %parallel_loop3A_251], %parallel_loop3A_246 {add = true, strides = array<i32>} : memref<16x2048xf32, #tpu.memory_space<vmem>>, vector<16xf32>,
          %parallel_loop3A_253 = arith.constant 13000 : i32
          %parallel_loop3A_254 = vector.broadcast %parallel_loop3A_253 : i32 to vector<16xi32>
          %parallel_loop3A_255 = arith.addi %parallel_loop3A_122, %parallel_loop3A_254 : vector<16xi32>
          %parallel_loop3A_256 = tpu.vector_load_idx %arg6[%parallel_loop3A_255] : memref<16000xf32, #tpu.memory_space<vmem>>[vector<16xi32>], vector<16xf32>,
          %parallel_loop3A_257 = arith.constant 16 : i32
          %parallel_loop3A_258 = arith.muli %parallel_loop3A_118, %parallel_loop3A_257 : i32
          %parallel_loop3A_259 = arith.constant 13 : i32
          %parallel_loop3A_260 = arith.index_cast %parallel_loop3A_259 : i32 to index
          %parallel_loop3A_261 = arith.index_cast %parallel_loop3A_258 : i32 to index
          %parallel_loop3A_262 = tpu.vector_load %arg8[%parallel_loop3A_260, %parallel_loop3A_261] {strides = array<i32>} : memref<16x2048xf32, #tpu.memory_space<vmem>>, vector<16xf32>,
          tpu.vector_store %arg8[%parallel_loop3A_260, %parallel_loop3A_261], %parallel_loop3A_256 {add = true, strides = array<i32>} : memref<16x2048xf32, #tpu.memory_space<vmem>>, vector<16xf32>,
          %parallel_loop3A_263 = arith.constant 14000 : i32
          %parallel_loop3A_264 = vector.broadcast %parallel_loop3A_263 : i32 to vector<16xi32>
          %parallel_loop3A_265 = arith.addi %parallel_loop3A_122, %parallel_loop3A_264 : vector<16xi32>
          %parallel_loop3A_266 = tpu.vector_load_idx %arg6[%parallel_loop3A_265] : memref<16000xf32, #tpu.memory_space<vmem>>[vector<16xi32>], vector<16xf32>,
          %parallel_loop3A_267 = arith.constant 16 : i32
          %parallel_loop3A_268 = arith.muli %parallel_loop3A_118, %parallel_loop3A_267 : i32
          %parallel_loop3A_269 = arith.constant 14 : i32
          %parallel_loop3A_270 = arith.index_cast %parallel_loop3A_269 : i32 to index
          %parallel_loop3A_271 = arith.index_cast %parallel_loop3A_268 : i32 to index
          %parallel_loop3A_272 = tpu.vector_load %arg8[%parallel_loop3A_270, %parallel_loop3A_271] {strides = array<i32>} : memref<16x2048xf32, #tpu.memory_space<vmem>>, vector<16xf32>,
          tpu.vector_store %arg8[%parallel_loop3A_270, %parallel_loop3A_271], %parallel_loop3A_266 {add = true, strides = array<i32>} : memref<16x2048xf32, #tpu.memory_space<vmem>>, vector<16xf32>,
          %parallel_loop3A_273 = arith.constant 15000 : i32
          %parallel_loop3A_274 = vector.broadcast %parallel_loop3A_273 : i32 to vector<16xi32>
          %parallel_loop3A_275 = arith.addi %parallel_loop3A_122, %parallel_loop3A_274 : vector<16xi32>
          %parallel_loop3A_276 = tpu.vector_load_idx %arg6[%parallel_loop3A_275] : memref<16000xf32, #tpu.memory_space<vmem>>[vector<16xi32>], vector<16xf32>,
          %parallel_loop3A_277 = arith.constant 16 : i32
          %parallel_loop3A_278 = arith.muli %parallel_loop3A_118, %parallel_loop3A_277 : i32
          %parallel_loop3A_279 = arith.constant 15 : i32
          %parallel_loop3A_280 = arith.index_cast %parallel_loop3A_279 : i32 to index
          %parallel_loop3A_281 = arith.index_cast %parallel_loop3A_278 : i32 to index
          %parallel_loop3A_282 = tpu.vector_load %arg8[%parallel_loop3A_280, %parallel_loop3A_281] {strides = array<i32>} : memref<16x2048xf32, #tpu.memory_space<vmem>>, vector<16xf32>,
          tpu.vector_store %arg8[%parallel_loop3A_280, %parallel_loop3A_281], %parallel_loop3A_276 {add = true, strides = array<i32>} : memref<16x2048xf32, #tpu.memory_space<vmem>>, vector<16xf32>,
        } {sc.loop_unroll_factor = 1 : i64, sc.parallel_access}
        %mul3A_106 = arith.constant 2048 : i32
        %mul3A_107 = arith.muli %add3A_79, %mul3A_106 : i32
        %add3A_108 = arith.addi %mul3A_34, %mul3A_107 : i32
        %dma_start3A_109 = tpu.memref_slice %arg5[%mul3A_32, %add3A_108] : memref<64x819200xf32, #tpu.memory_space<hbm>> -> memref<16x2048xf32, #tpu.memory_space<hbm>>
        %dma_start3A_110 = tpu.memref_slice %arg5[%mul3A_32, %add3A_108] : memref<64x819200xf32, #tpu.memory_space<hbm>> -> memref<16x2048xf32, #tpu.memory_space<hbm>>
        tpu.enqueue_dma source(%arg8 : memref<16x2048xf32, #tpu.memory_space<vmem>>) target(%dma_start3A_110 : memref<16x2048xf32, #tpu.memory_space<hbm>>) target_semaphore(%arg17 : memref<!tpu.dma_semaphore, #tpu.memory_space<semaphore_mem>>)
        %add3A_111 = arith.constant 2 : i32
        %add3A_112 = arith.addi %add3A_79, %add3A_111 : i32
        %lt3A_113 = arith.constant 50 : i32
        %lt3A_114 = arith.cmpi slt, %add3A_112, %lt3A_113 : i32
        %convert_element_type3A_115 = arith.extui %lt3A_114 : i1 to i32
        %cond3A_116 = arith.constant 0 : i32
        %cond3A_117 = arith.cmpi ne, %convert_element_type3A_115, %cond3A_116 : i32
        scf.if %cond3A_117 {
          %ge3A = arith.constant 1 : i32
          %ge3A_118 = arith.cmpi sge, %add3A_79, %ge3A : i32
          %convert_element_type3A_119 = arith.extui %ge3A_118 : i1 to i32
          %cond3A_120 = arith.constant 0 : i32
          %cond3A_121 = arith.cmpi ne, %convert_element_type3A_119, %cond3A_120 : i32
          scf.if %cond3A_121 {
            %sub3A_136 = arith.constant 1 : i32
            %sub3A_137 = arith.subi %add3A_79, %sub3A_136 : i32
            %mul3A_138 = arith.constant 2048 : i32
            %mul3A_139 = arith.muli %sub3A_137, %mul3A_138 : i32
            %add3A_140 = arith.addi %mul3A_34, %mul3A_139 : i32
            %dma_wait3A_141 = tpu.memref_slice %arg5[%mul3A_32, %add3A_140] : memref<64x819200xf32, #tpu.memory_space<hbm>> -> memref<16x2048xf32, #tpu.memory_space<hbm>>
            %dma_wait3A_142 = tpu.memref_slice %arg5[%mul3A_32, %add3A_140] : memref<64x819200xf32, #tpu.memory_space<hbm>> -> memref<16x2048xf32, #tpu.memory_space<hbm>>
            tpu.wait_dma2 semaphore(%arg16 : memref<!tpu.dma_semaphore, #tpu.memory_space<semaphore_mem>>) src(%arg7 : memref<16x2048xf32, #tpu.memory_space<vmem>>) dst(%dma_wait3A_142 : memref<16x2048xf32, #tpu.memory_space<hbm>>)
          } else {
          }
          %add3A_122 = arith.constant 2 : i32
          %add3A_123 = arith.addi %add3A_79, %add3A_122 : i32
          %mul3A_124 = arith.constant 2048 : i32
          %mul3A_125 = arith.muli %add3A_123, %mul3A_124 : i32
          %add3A_126 = arith.addi %mul3A_34, %mul3A_125 : i32
          %dma_start3A_127 = tpu.memref_slice %arg2[%mul3A_32, %add3A_126] : memref<64x819200xf32, #tpu.memory_space<hbm>> -> memref<16x2048xf32, #tpu.memory_space<hbm>>
          %dma_start3A_128 = tpu.memref_slice %arg2[%mul3A_32, %add3A_126] : memref<64x819200xf32, #tpu.memory_space<hbm>> -> memref<16x2048xf32, #tpu.memory_space<hbm>>
          tpu.enqueue_dma source(%dma_start3A_128 : memref<16x2048xf32, #tpu.memory_space<hbm>>) target(%arg7 : memref<16x2048xf32, #tpu.memory_space<vmem>>) target_semaphore(%arg13 : memref<!tpu.dma_semaphore, #tpu.memory_space<semaphore_mem>>)
          %add3A_129 = arith.constant 2 : i32
          %add3A_130 = arith.addi %add3A_79, %add3A_129 : i32
          %mul3A_131 = arith.constant 2048 : i32
          %mul3A_132 = arith.muli %add3A_130, %mul3A_131 : i32
          %add3A_133 = arith.addi %mul3A_34, %mul3A_132 : i32
          %dma_start3A_134 = tpu.memref_slice %arg3[%add3A_133] : memref<819200xi32, #tpu.memory_space<hbm>> -> memref<2048xi32, #tpu.memory_space<hbm>>
          %dma_start3A_135 = tpu.memref_slice %arg3[%add3A_133] : memref<819200xi32, #tpu.memory_space<hbm>> -> memref<2048xi32, #tpu.memory_space<hbm>>
          tpu.enqueue_dma source(%dma_start3A_135 : memref<2048xi32, #tpu.memory_space<hbm>>) target(%arg10 : memref<2048xi32, #tpu.memory_space<vmem>>) target_semaphore(%arg13 : memref<!tpu.dma_semaphore, #tpu.memory_space<semaphore_mem>>)
        } else {
        }
      } else {
      }
      %mul3A_85 = arith.constant 3 : i32
      %mul3A_86 = arith.muli %mul3A_85, %scan3A_68 : i32
      %add3A_87 = arith.constant 2 : i32
      %add3A_88 = arith.addi %mul3A_86, %add3A_87 : i32
      %lt3A_89 = arith.constant 50 : i32
      %lt3A_90 = arith.cmpi slt, %add3A_88, %lt3A_89 : i32
      %convert_element_type3A_91 = arith.extui %lt3A_90 : i1 to i32
      %cond3A_92 = arith.constant 0 : i32
      %cond3A_93 = arith.cmpi ne, %convert_element_type3A_91, %cond3A_92 : i32
      scf.if %cond3A_93 {
        %mul3A_94 = arith.constant 2048 : i32
        %mul3A_95 = arith.muli %add3A_88, %mul3A_94 : i32
        %add3A_96 = arith.addi %mul3A_34, %mul3A_95 : i32
        %dma_wait3A_97 = tpu.memref_slice %arg2[%mul3A_32, %add3A_96] : memref<64x819200xf32, #tpu.memory_space<hbm>> -> memref<16x2048xf32, #tpu.memory_space<hbm>>
        %dma_wait3A_98 = tpu.memref_slice %arg2[%mul3A_32, %add3A_96] : memref<64x819200xf32, #tpu.memory_space<hbm>> -> memref<16x2048xf32, #tpu.memory_space<hbm>>
        tpu.wait_dma2 semaphore(%arg15 : memref<!tpu.dma_semaphore, #tpu.memory_space<semaphore_mem>>) src(%dma_wait3A_98 : memref<16x2048xf32, #tpu.memory_space<hbm>>) dst(%arg9 : memref<16x2048xf32, #tpu.memory_space<vmem>>)
        %mul3A_99 = arith.constant 2048 : i32
        %mul3A_100 = arith.muli %add3A_88, %mul3A_99 : i32
        %add3A_101 = arith.addi %mul3A_34, %mul3A_100 : i32
        %dma_wait3A_102 = tpu.memref_slice %arg3[%add3A_101] : memref<819200xi32, #tpu.memory_space<hbm>> -> memref<2048xi32, #tpu.memory_space<hbm>>
        %dma_wait3A_103 = tpu.memref_slice %arg3[%add3A_101] : memref<819200xi32, #tpu.memory_space<hbm>> -> memref<2048xi32, #tpu.memory_space<hbm>>
        tpu.wait_dma2 semaphore(%arg15 : memref<!tpu.dma_semaphore, #tpu.memory_space<semaphore_mem>>) src(%dma_wait3A_103 : memref<2048xi32, #tpu.memory_space<hbm>>) dst(%arg12 : memref<2048xi32, #tpu.memory_space<vmem>>)
        %parallel_loop3A = arith.constant 0 : i32
        %parallel_loop3A_104 = arith.constant 128 : i32
        %parallel_loop3A_105 = arith.constant 1 : i32
        scf.for %parallel_loop3A_118 = %parallel_loop3A to %parallel_loop3A_104 step %parallel_loop3A_105  : i32 {
          %parallel_loop3A_119 = arith.constant 16 : i32
          %parallel_loop3A_120 = arith.muli %parallel_loop3A_118, %parallel_loop3A_119 : i32
          %parallel_loop3A_121 = arith.index_cast %parallel_loop3A_120 : i32 to index
          %parallel_loop3A_122 = tpu.vector_load %arg12[%parallel_loop3A_121] {strides = array<i32>} : memref<2048xi32, #tpu.memory_space<vmem>>, vector<16xi32>,
          %parallel_loop3A_123 = arith.constant 0 : i32
          %parallel_loop3A_124 = vector.broadcast %parallel_loop3A_123 : i32 to vector<16xi32>
          %parallel_loop3A_125 = arith.addi %parallel_loop3A_122, %parallel_loop3A_124 : vector<16xi32>
          %parallel_loop3A_126 = tpu.vector_load_idx %arg6[%parallel_loop3A_125] : memref<16000xf32, #tpu.memory_space<vmem>>[vector<16xi32>], vector<16xf32>,
          %parallel_loop3A_127 = arith.constant 16 : i32
          %parallel_loop3A_128 = arith.muli %parallel_loop3A_118, %parallel_loop3A_127 : i32
          %parallel_loop3A_129 = arith.constant 0 : i32
          %parallel_loop3A_130 = arith.index_cast %parallel_loop3A_129 : i32 to index
          %parallel_loop3A_131 = arith.index_cast %parallel_loop3A_128 : i32 to index
          %parallel_loop3A_132 = tpu.vector_load %arg9[%parallel_loop3A_130, %parallel_loop3A_131] {strides = array<i32>} : memref<16x2048xf32, #tpu.memory_space<vmem>>, vector<16xf32>,
          tpu.vector_store %arg9[%parallel_loop3A_130, %parallel_loop3A_131], %parallel_loop3A_126 {add = true, strides = array<i32>} : memref<16x2048xf32, #tpu.memory_space<vmem>>, vector<16xf32>,
          %parallel_loop3A_133 = arith.constant 1000 : i32
          %parallel_loop3A_134 = vector.broadcast %parallel_loop3A_133 : i32 to vector<16xi32>
          %parallel_loop3A_135 = arith.addi %parallel_loop3A_122, %parallel_loop3A_134 : vector<16xi32>
          %parallel_loop3A_136 = tpu.vector_load_idx %arg6[%parallel_loop3A_135] : memref<16000xf32, #tpu.memory_space<vmem>>[vector<16xi32>], vector<16xf32>,
          %parallel_loop3A_137 = arith.constant 16 : i32
          %parallel_loop3A_138 = arith.muli %parallel_loop3A_118, %parallel_loop3A_137 : i32
          %parallel_loop3A_139 = arith.constant 1 : i32
          %parallel_loop3A_140 = arith.index_cast %parallel_loop3A_139 : i32 to index
          %parallel_loop3A_141 = arith.index_cast %parallel_loop3A_138 : i32 to index
          %parallel_loop3A_142 = tpu.vector_load %arg9[%parallel_loop3A_140, %parallel_loop3A_141] {strides = array<i32>} : memref<16x2048xf32, #tpu.memory_space<vmem>>, vector<16xf32>,
          tpu.vector_store %arg9[%parallel_loop3A_140, %parallel_loop3A_141], %parallel_loop3A_136 {add = true, strides = array<i32>} : memref<16x2048xf32, #tpu.memory_space<vmem>>, vector<16xf32>,
          %parallel_loop3A_143 = arith.constant 2000 : i32
          %parallel_loop3A_144 = vector.broadcast %parallel_loop3A_143 : i32 to vector<16xi32>
          %parallel_loop3A_145 = arith.addi %parallel_loop3A_122, %parallel_loop3A_144 : vector<16xi32>
          %parallel_loop3A_146 = tpu.vector_load_idx %arg6[%parallel_loop3A_145] : memref<16000xf32, #tpu.memory_space<vmem>>[vector<16xi32>], vector<16xf32>,
          %parallel_loop3A_147 = arith.constant 16 : i32
          %parallel_loop3A_148 = arith.muli %parallel_loop3A_118, %parallel_loop3A_147 : i32
          %parallel_loop3A_149 = arith.constant 2 : i32
          %parallel_loop3A_150 = arith.index_cast %parallel_loop3A_149 : i32 to index
          %parallel_loop3A_151 = arith.index_cast %parallel_loop3A_148 : i32 to index
          %parallel_loop3A_152 = tpu.vector_load %arg9[%parallel_loop3A_150, %parallel_loop3A_151] {strides = array<i32>} : memref<16x2048xf32, #tpu.memory_space<vmem>>, vector<16xf32>,
          tpu.vector_store %arg9[%parallel_loop3A_150, %parallel_loop3A_151], %parallel_loop3A_146 {add = true, strides = array<i32>} : memref<16x2048xf32, #tpu.memory_space<vmem>>, vector<16xf32>,
          %parallel_loop3A_153 = arith.constant 3000 : i32
          %parallel_loop3A_154 = vector.broadcast %parallel_loop3A_153 : i32 to vector<16xi32>
          %parallel_loop3A_155 = arith.addi %parallel_loop3A_122, %parallel_loop3A_154 : vector<16xi32>
          %parallel_loop3A_156 = tpu.vector_load_idx %arg6[%parallel_loop3A_155] : memref<16000xf32, #tpu.memory_space<vmem>>[vector<16xi32>], vector<16xf32>,
          %parallel_loop3A_157 = arith.constant 16 : i32
          %parallel_loop3A_158 = arith.muli %parallel_loop3A_118, %parallel_loop3A_157 : i32
          %parallel_loop3A_159 = arith.constant 3 : i32
          %parallel_loop3A_160 = arith.index_cast %parallel_loop3A_159 : i32 to index
          %parallel_loop3A_161 = arith.index_cast %parallel_loop3A_158 : i32 to index
          %parallel_loop3A_162 = tpu.vector_load %arg9[%parallel_loop3A_160, %parallel_loop3A_161] {strides = array<i32>} : memref<16x2048xf32, #tpu.memory_space<vmem>>, vector<16xf32>,
          tpu.vector_store %arg9[%parallel_loop3A_160, %parallel_loop3A_161], %parallel_loop3A_156 {add = true, strides = array<i32>} : memref<16x2048xf32, #tpu.memory_space<vmem>>, vector<16xf32>,
          %parallel_loop3A_163 = arith.constant 4000 : i32
          %parallel_loop3A_164 = vector.broadcast %parallel_loop3A_163 : i32 to vector<16xi32>
          %parallel_loop3A_165 = arith.addi %parallel_loop3A_122, %parallel_loop3A_164 : vector<16xi32>
          %parallel_loop3A_166 = tpu.vector_load_idx %arg6[%parallel_loop3A_165] : memref<16000xf32, #tpu.memory_space<vmem>>[vector<16xi32>], vector<16xf32>,
          %parallel_loop3A_167 = arith.constant 16 : i32
          %parallel_loop3A_168 = arith.muli %parallel_loop3A_118, %parallel_loop3A_167 : i32
          %parallel_loop3A_169 = arith.constant 4 : i32
          %parallel_loop3A_170 = arith.index_cast %parallel_loop3A_169 : i32 to index
          %parallel_loop3A_171 = arith.index_cast %parallel_loop3A_168 : i32 to index
          %parallel_loop3A_172 = tpu.vector_load %arg9[%parallel_loop3A_170, %parallel_loop3A_171] {strides = array<i32>} : memref<16x2048xf32, #tpu.memory_space<vmem>>, vector<16xf32>,
          tpu.vector_store %arg9[%parallel_loop3A_170, %parallel_loop3A_171], %parallel_loop3A_166 {add = true, strides = array<i32>} : memref<16x2048xf32, #tpu.memory_space<vmem>>, vector<16xf32>,
          %parallel_loop3A_173 = arith.constant 5000 : i32
          %parallel_loop3A_174 = vector.broadcast %parallel_loop3A_173 : i32 to vector<16xi32>
          %parallel_loop3A_175 = arith.addi %parallel_loop3A_122, %parallel_loop3A_174 : vector<16xi32>
          %parallel_loop3A_176 = tpu.vector_load_idx %arg6[%parallel_loop3A_175] : memref<16000xf32, #tpu.memory_space<vmem>>[vector<16xi32>], vector<16xf32>,
          %parallel_loop3A_177 = arith.constant 16 : i32
          %parallel_loop3A_178 = arith.muli %parallel_loop3A_118, %parallel_loop3A_177 : i32
          %parallel_loop3A_179 = arith.constant 5 : i32
          %parallel_loop3A_180 = arith.index_cast %parallel_loop3A_179 : i32 to index
          %parallel_loop3A_181 = arith.index_cast %parallel_loop3A_178 : i32 to index
          %parallel_loop3A_182 = tpu.vector_load %arg9[%parallel_loop3A_180, %parallel_loop3A_181] {strides = array<i32>} : memref<16x2048xf32, #tpu.memory_space<vmem>>, vector<16xf32>,
          tpu.vector_store %arg9[%parallel_loop3A_180, %parallel_loop3A_181], %parallel_loop3A_176 {add = true, strides = array<i32>} : memref<16x2048xf32, #tpu.memory_space<vmem>>, vector<16xf32>,
          %parallel_loop3A_183 = arith.constant 6000 : i32
          %parallel_loop3A_184 = vector.broadcast %parallel_loop3A_183 : i32 to vector<16xi32>
          %parallel_loop3A_185 = arith.addi %parallel_loop3A_122, %parallel_loop3A_184 : vector<16xi32>
          %parallel_loop3A_186 = tpu.vector_load_idx %arg6[%parallel_loop3A_185] : memref<16000xf32, #tpu.memory_space<vmem>>[vector<16xi32>], vector<16xf32>,
          %parallel_loop3A_187 = arith.constant 16 : i32
          %parallel_loop3A_188 = arith.muli %parallel_loop3A_118, %parallel_loop3A_187 : i32
          %parallel_loop3A_189 = arith.constant 6 : i32
          %parallel_loop3A_190 = arith.index_cast %parallel_loop3A_189 : i32 to index
          %parallel_loop3A_191 = arith.index_cast %parallel_loop3A_188 : i32 to index
          %parallel_loop3A_192 = tpu.vector_load %arg9[%parallel_loop3A_190, %parallel_loop3A_191] {strides = array<i32>} : memref<16x2048xf32, #tpu.memory_space<vmem>>, vector<16xf32>,
          tpu.vector_store %arg9[%parallel_loop3A_190, %parallel_loop3A_191], %parallel_loop3A_186 {add = true, strides = array<i32>} : memref<16x2048xf32, #tpu.memory_space<vmem>>, vector<16xf32>,
          %parallel_loop3A_193 = arith.constant 7000 : i32
          %parallel_loop3A_194 = vector.broadcast %parallel_loop3A_193 : i32 to vector<16xi32>
          %parallel_loop3A_195 = arith.addi %parallel_loop3A_122, %parallel_loop3A_194 : vector<16xi32>
          %parallel_loop3A_196 = tpu.vector_load_idx %arg6[%parallel_loop3A_195] : memref<16000xf32, #tpu.memory_space<vmem>>[vector<16xi32>], vector<16xf32>,
          %parallel_loop3A_197 = arith.constant 16 : i32
          %parallel_loop3A_198 = arith.muli %parallel_loop3A_118, %parallel_loop3A_197 : i32
          %parallel_loop3A_199 = arith.constant 7 : i32
          %parallel_loop3A_200 = arith.index_cast %parallel_loop3A_199 : i32 to index
          %parallel_loop3A_201 = arith.index_cast %parallel_loop3A_198 : i32 to index
          %parallel_loop3A_202 = tpu.vector_load %arg9[%parallel_loop3A_200, %parallel_loop3A_201] {strides = array<i32>} : memref<16x2048xf32, #tpu.memory_space<vmem>>, vector<16xf32>,
          tpu.vector_store %arg9[%parallel_loop3A_200, %parallel_loop3A_201], %parallel_loop3A_196 {add = true, strides = array<i32>} : memref<16x2048xf32, #tpu.memory_space<vmem>>, vector<16xf32>,
          %parallel_loop3A_203 = arith.constant 8000 : i32
          %parallel_loop3A_204 = vector.broadcast %parallel_loop3A_203 : i32 to vector<16xi32>
          %parallel_loop3A_205 = arith.addi %parallel_loop3A_122, %parallel_loop3A_204 : vector<16xi32>
          %parallel_loop3A_206 = tpu.vector_load_idx %arg6[%parallel_loop3A_205] : memref<16000xf32, #tpu.memory_space<vmem>>[vector<16xi32>], vector<16xf32>,
          %parallel_loop3A_207 = arith.constant 16 : i32
          %parallel_loop3A_208 = arith.muli %parallel_loop3A_118, %parallel_loop3A_207 : i32
          %parallel_loop3A_209 = arith.constant 8 : i32
          %parallel_loop3A_210 = arith.index_cast %parallel_loop3A_209 : i32 to index
          %parallel_loop3A_211 = arith.index_cast %parallel_loop3A_208 : i32 to index
          %parallel_loop3A_212 = tpu.vector_load %arg9[%parallel_loop3A_210, %parallel_loop3A_211] {strides = array<i32>} : memref<16x2048xf32, #tpu.memory_space<vmem>>, vector<16xf32>,
          tpu.vector_store %arg9[%parallel_loop3A_210, %parallel_loop3A_211], %parallel_loop3A_206 {add = true, strides = array<i32>} : memref<16x2048xf32, #tpu.memory_space<vmem>>, vector<16xf32>,
          %parallel_loop3A_213 = arith.constant 9000 : i32
          %parallel_loop3A_214 = vector.broadcast %parallel_loop3A_213 : i32 to vector<16xi32>
          %parallel_loop3A_215 = arith.addi %parallel_loop3A_122, %parallel_loop3A_214 : vector<16xi32>
          %parallel_loop3A_216 = tpu.vector_load_idx %arg6[%parallel_loop3A_215] : memref<16000xf32, #tpu.memory_space<vmem>>[vector<16xi32>], vector<16xf32>,
          %parallel_loop3A_217 = arith.constant 16 : i32
          %parallel_loop3A_218 = arith.muli %parallel_loop3A_118, %parallel_loop3A_217 : i32
          %parallel_loop3A_219 = arith.constant 9 : i32
          %parallel_loop3A_220 = arith.index_cast %parallel_loop3A_219 : i32 to index
          %parallel_loop3A_221 = arith.index_cast %parallel_loop3A_218 : i32 to index
          %parallel_loop3A_222 = tpu.vector_load %arg9[%parallel_loop3A_220, %parallel_loop3A_221] {strides = array<i32>} : memref<16x2048xf32, #tpu.memory_space<vmem>>, vector<16xf32>,
          tpu.vector_store %arg9[%parallel_loop3A_220, %parallel_loop3A_221], %parallel_loop3A_216 {add = true, strides = array<i32>} : memref<16x2048xf32, #tpu.memory_space<vmem>>, vector<16xf32>,
          %parallel_loop3A_223 = arith.constant 10000 : i32
          %parallel_loop3A_224 = vector.broadcast %parallel_loop3A_223 : i32 to vector<16xi32>
          %parallel_loop3A_225 = arith.addi %parallel_loop3A_122, %parallel_loop3A_224 : vector<16xi32>
          %parallel_loop3A_226 = tpu.vector_load_idx %arg6[%parallel_loop3A_225] : memref<16000xf32, #tpu.memory_space<vmem>>[vector<16xi32>], vector<16xf32>,
          %parallel_loop3A_227 = arith.constant 16 : i32
          %parallel_loop3A_228 = arith.muli %parallel_loop3A_118, %parallel_loop3A_227 : i32
          %parallel_loop3A_229 = arith.constant 10 : i32
          %parallel_loop3A_230 = arith.index_cast %parallel_loop3A_229 : i32 to index
          %parallel_loop3A_231 = arith.index_cast %parallel_loop3A_228 : i32 to index
          %parallel_loop3A_232 = tpu.vector_load %arg9[%parallel_loop3A_230, %parallel_loop3A_231] {strides = array<i32>} : memref<16x2048xf32, #tpu.memory_space<vmem>>, vector<16xf32>,
          tpu.vector_store %arg9[%parallel_loop3A_230, %parallel_loop3A_231], %parallel_loop3A_226 {add = true, strides = array<i32>} : memref<16x2048xf32, #tpu.memory_space<vmem>>, vector<16xf32>,
          %parallel_loop3A_233 = arith.constant 11000 : i32
          %parallel_loop3A_234 = vector.broadcast %parallel_loop3A_233 : i32 to vector<16xi32>
          %parallel_loop3A_235 = arith.addi %parallel_loop3A_122, %parallel_loop3A_234 : vector<16xi32>
          %parallel_loop3A_236 = tpu.vector_load_idx %arg6[%parallel_loop3A_235] : memref<16000xf32, #tpu.memory_space<vmem>>[vector<16xi32>], vector<16xf32>,
          %parallel_loop3A_237 = arith.constant 16 : i32
          %parallel_loop3A_238 = arith.muli %parallel_loop3A_118, %parallel_loop3A_237 : i32
          %parallel_loop3A_239 = arith.constant 11 : i32
          %parallel_loop3A_240 = arith.index_cast %parallel_loop3A_239 : i32 to index
          %parallel_loop3A_241 = arith.index_cast %parallel_loop3A_238 : i32 to index
          %parallel_loop3A_242 = tpu.vector_load %arg9[%parallel_loop3A_240, %parallel_loop3A_241] {strides = array<i32>} : memref<16x2048xf32, #tpu.memory_space<vmem>>, vector<16xf32>,
          tpu.vector_store %arg9[%parallel_loop3A_240, %parallel_loop3A_241], %parallel_loop3A_236 {add = true, strides = array<i32>} : memref<16x2048xf32, #tpu.memory_space<vmem>>, vector<16xf32>,
          %parallel_loop3A_243 = arith.constant 12000 : i32
          %parallel_loop3A_244 = vector.broadcast %parallel_loop3A_243 : i32 to vector<16xi32>
          %parallel_loop3A_245 = arith.addi %parallel_loop3A_122, %parallel_loop3A_244 : vector<16xi32>
          %parallel_loop3A_246 = tpu.vector_load_idx %arg6[%parallel_loop3A_245] : memref<16000xf32, #tpu.memory_space<vmem>>[vector<16xi32>], vector<16xf32>,
          %parallel_loop3A_247 = arith.constant 16 : i32
          %parallel_loop3A_248 = arith.muli %parallel_loop3A_118, %parallel_loop3A_247 : i32
          %parallel_loop3A_249 = arith.constant 12 : i32
          %parallel_loop3A_250 = arith.index_cast %parallel_loop3A_249 : i32 to index
          %parallel_loop3A_251 = arith.index_cast %parallel_loop3A_248 : i32 to index
          %parallel_loop3A_252 = tpu.vector_load %arg9[%parallel_loop3A_250, %parallel_loop3A_251] {strides = array<i32>} : memref<16x2048xf32, #tpu.memory_space<vmem>>, vector<16xf32>,
          tpu.vector_store %arg9[%parallel_loop3A_250, %parallel_loop3A_251], %parallel_loop3A_246 {add = true, strides = array<i32>} : memref<16x2048xf32, #tpu.memory_space<vmem>>, vector<16xf32>,
          %parallel_loop3A_253 = arith.constant 13000 : i32
          %parallel_loop3A_254 = vector.broadcast %parallel_loop3A_253 : i32 to vector<16xi32>
          %parallel_loop3A_255 = arith.addi %parallel_loop3A_122, %parallel_loop3A_254 : vector<16xi32>
          %parallel_loop3A_256 = tpu.vector_load_idx %arg6[%parallel_loop3A_255] : memref<16000xf32, #tpu.memory_space<vmem>>[vector<16xi32>], vector<16xf32>,
          %parallel_loop3A_257 = arith.constant 16 : i32
          %parallel_loop3A_258 = arith.muli %parallel_loop3A_118, %parallel_loop3A_257 : i32
          %parallel_loop3A_259 = arith.constant 13 : i32
          %parallel_loop3A_260 = arith.index_cast %parallel_loop3A_259 : i32 to index
          %parallel_loop3A_261 = arith.index_cast %parallel_loop3A_258 : i32 to index
          %parallel_loop3A_262 = tpu.vector_load %arg9[%parallel_loop3A_260, %parallel_loop3A_261] {strides = array<i32>} : memref<16x2048xf32, #tpu.memory_space<vmem>>, vector<16xf32>,
          tpu.vector_store %arg9[%parallel_loop3A_260, %parallel_loop3A_261], %parallel_loop3A_256 {add = true, strides = array<i32>} : memref<16x2048xf32, #tpu.memory_space<vmem>>, vector<16xf32>,
          %parallel_loop3A_263 = arith.constant 14000 : i32
          %parallel_loop3A_264 = vector.broadcast %parallel_loop3A_263 : i32 to vector<16xi32>
          %parallel_loop3A_265 = arith.addi %parallel_loop3A_122, %parallel_loop3A_264 : vector<16xi32>
          %parallel_loop3A_266 = tpu.vector_load_idx %arg6[%parallel_loop3A_265] : memref<16000xf32, #tpu.memory_space<vmem>>[vector<16xi32>], vector<16xf32>,
          %parallel_loop3A_267 = arith.constant 16 : i32
          %parallel_loop3A_268 = arith.muli %parallel_loop3A_118, %parallel_loop3A_267 : i32
          %parallel_loop3A_269 = arith.constant 14 : i32
          %parallel_loop3A_270 = arith.index_cast %parallel_loop3A_269 : i32 to index
          %parallel_loop3A_271 = arith.index_cast %parallel_loop3A_268 : i32 to index
          %parallel_loop3A_272 = tpu.vector_load %arg9[%parallel_loop3A_270, %parallel_loop3A_271] {strides = array<i32>} : memref<16x2048xf32, #tpu.memory_space<vmem>>, vector<16xf32>,
          tpu.vector_store %arg9[%parallel_loop3A_270, %parallel_loop3A_271], %parallel_loop3A_266 {add = true, strides = array<i32>} : memref<16x2048xf32, #tpu.memory_space<vmem>>, vector<16xf32>,
          %parallel_loop3A_273 = arith.constant 15000 : i32
          %parallel_loop3A_274 = vector.broadcast %parallel_loop3A_273 : i32 to vector<16xi32>
          %parallel_loop3A_275 = arith.addi %parallel_loop3A_122, %parallel_loop3A_274 : vector<16xi32>
          %parallel_loop3A_276 = tpu.vector_load_idx %arg6[%parallel_loop3A_275] : memref<16000xf32, #tpu.memory_space<vmem>>[vector<16xi32>], vector<16xf32>,
          %parallel_loop3A_277 = arith.constant 16 : i32
          %parallel_loop3A_278 = arith.muli %parallel_loop3A_118, %parallel_loop3A_277 : i32
          %parallel_loop3A_279 = arith.constant 15 : i32
          %parallel_loop3A_280 = arith.index_cast %parallel_loop3A_279 : i32 to index
          %parallel_loop3A_281 = arith.index_cast %parallel_loop3A_278 : i32 to index
          %parallel_loop3A_282 = tpu.vector_load %arg9[%parallel_loop3A_280, %parallel_loop3A_281] {strides = array<i32>} : memref<16x2048xf32, #tpu.memory_space<vmem>>, vector<16xf32>,
          tpu.vector_store %arg9[%parallel_loop3A_280, %parallel_loop3A_281], %parallel_loop3A_276 {add = true, strides = array<i32>} : memref<16x2048xf32, #tpu.memory_space<vmem>>, vector<16xf32>,
        } {sc.loop_unroll_factor = 1 : i64, sc.parallel_access}
        %mul3A_106 = arith.constant 2048 : i32
        %mul3A_107 = arith.muli %add3A_88, %mul3A_106 : i32
        %add3A_108 = arith.addi %mul3A_34, %mul3A_107 : i32
        %dma_start3A_109 = tpu.memref_slice %arg5[%mul3A_32, %add3A_108] : memref<64x819200xf32, #tpu.memory_space<hbm>> -> memref<16x2048xf32, #tpu.memory_space<hbm>>
        %dma_start3A_110 = tpu.memref_slice %arg5[%mul3A_32, %add3A_108] : memref<64x819200xf32, #tpu.memory_space<hbm>> -> memref<16x2048xf32, #tpu.memory_space<hbm>>
        tpu.enqueue_dma source(%arg9 : memref<16x2048xf32, #tpu.memory_space<vmem>>) target(%dma_start3A_110 : memref<16x2048xf32, #tpu.memory_space<hbm>>) target_semaphore(%arg18 : memref<!tpu.dma_semaphore, #tpu.memory_space<semaphore_mem>>)
        %add3A_111 = arith.constant 2 : i32
        %add3A_112 = arith.addi %add3A_88, %add3A_111 : i32
        %lt3A_113 = arith.constant 50 : i32
        %lt3A_114 = arith.cmpi slt, %add3A_112, %lt3A_113 : i32
        %convert_element_type3A_115 = arith.extui %lt3A_114 : i1 to i32
        %cond3A_116 = arith.constant 0 : i32
        %cond3A_117 = arith.cmpi ne, %convert_element_type3A_115, %cond3A_116 : i32
        scf.if %cond3A_117 {
          %ge3A = arith.constant 1 : i32
          %ge3A_118 = arith.cmpi sge, %add3A_88, %ge3A : i32
          %convert_element_type3A_119 = arith.extui %ge3A_118 : i1 to i32
          %cond3A_120 = arith.constant 0 : i32
          %cond3A_121 = arith.cmpi ne, %convert_element_type3A_119, %cond3A_120 : i32
          scf.if %cond3A_121 {
            %sub3A_136 = arith.constant 1 : i32
            %sub3A_137 = arith.subi %add3A_88, %sub3A_136 : i32
            %mul3A_138 = arith.constant 2048 : i32
            %mul3A_139 = arith.muli %sub3A_137, %mul3A_138 : i32
            %add3A_140 = arith.addi %mul3A_34, %mul3A_139 : i32
            %dma_wait3A_141 = tpu.memref_slice %arg5[%mul3A_32, %add3A_140] : memref<64x819200xf32, #tpu.memory_space<hbm>> -> memref<16x2048xf32, #tpu.memory_space<hbm>>
            %dma_wait3A_142 = tpu.memref_slice %arg5[%mul3A_32, %add3A_140] : memref<64x819200xf32, #tpu.memory_space<hbm>> -> memref<16x2048xf32, #tpu.memory_space<hbm>>
            tpu.wait_dma2 semaphore(%arg17 : memref<!tpu.dma_semaphore, #tpu.memory_space<semaphore_mem>>) src(%arg8 : memref<16x2048xf32, #tpu.memory_space<vmem>>) dst(%dma_wait3A_142 : memref<16x2048xf32, #tpu.memory_space<hbm>>)
          } else {
          }
          %add3A_122 = arith.constant 2 : i32
          %add3A_123 = arith.addi %add3A_88, %add3A_122 : i32
          %mul3A_124 = arith.constant 2048 : i32
          %mul3A_125 = arith.muli %add3A_123, %mul3A_124 : i32
          %add3A_126 = arith.addi %mul3A_34, %mul3A_125 : i32
          %dma_start3A_127 = tpu.memref_slice %arg2[%mul3A_32, %add3A_126] : memref<64x819200xf32, #tpu.memory_space<hbm>> -> memref<16x2048xf32, #tpu.memory_space<hbm>>
          %dma_start3A_128 = tpu.memref_slice %arg2[%mul3A_32, %add3A_126] : memref<64x819200xf32, #tpu.memory_space<hbm>> -> memref<16x2048xf32, #tpu.memory_space<hbm>>
          tpu.enqueue_dma source(%dma_start3A_128 : memref<16x2048xf32, #tpu.memory_space<hbm>>) target(%arg8 : memref<16x2048xf32, #tpu.memory_space<vmem>>) target_semaphore(%arg14 : memref<!tpu.dma_semaphore, #tpu.memory_space<semaphore_mem>>)
          %add3A_129 = arith.constant 2 : i32
          %add3A_130 = arith.addi %add3A_88, %add3A_129 : i32
          %mul3A_131 = arith.constant 2048 : i32
          %mul3A_132 = arith.muli %add3A_130, %mul3A_131 : i32
          %add3A_133 = arith.addi %mul3A_34, %mul3A_132 : i32
          %dma_start3A_134 = tpu.memref_slice %arg3[%add3A_133] : memref<819200xi32, #tpu.memory_space<hbm>> -> memref<2048xi32, #tpu.memory_space<hbm>>
          %dma_start3A_135 = tpu.memref_slice %arg3[%add3A_133] : memref<819200xi32, #tpu.memory_space<hbm>> -> memref<2048xi32, #tpu.memory_space<hbm>>
          tpu.enqueue_dma source(%dma_start3A_135 : memref<2048xi32, #tpu.memory_space<hbm>>) target(%arg11 : memref<2048xi32, #tpu.memory_space<vmem>>) target_semaphore(%arg14 : memref<!tpu.dma_semaphore, #tpu.memory_space<semaphore_mem>>)
        } else {
        }
      } else {
      }
    }
    %scan3A_56 = arith.constant 17 : i32
    %add3A_57 = arith.constant 96256 : i32
    %add3A_58 = arith.addi %mul3A_34, %add3A_57 : i32
    %dma_wait3A = tpu.memref_slice %arg5[%mul3A_32, %add3A_58] : memref<64x819200xf32, #tpu.memory_space<hbm>> -> memref<16x2048xf32, #tpu.memory_space<hbm>>
    %dma_wait3A_59 = tpu.memref_slice %arg5[%mul3A_32, %add3A_58] : memref<64x819200xf32, #tpu.memory_space<hbm>> -> memref<16x2048xf32, #tpu.memory_space<hbm>>
    tpu.wait_dma2 semaphore(%arg18 : memref<!tpu.dma_semaphore, #tpu.memory_space<semaphore_mem>>) src(%arg9 : memref<16x2048xf32, #tpu.memory_space<vmem>>) dst(%dma_wait3A_59 : memref<16x2048xf32, #tpu.memory_space<hbm>>)
    %add3A_60 = arith.constant 98304 : i32
    %add3A_61 = arith.addi %mul3A_34, %add3A_60 : i32
    %dma_wait3A_62 = tpu.memref_slice %arg5[%mul3A_32, %add3A_61] : memref<64x819200xf32, #tpu.memory_space<hbm>> -> memref<16x2048xf32, #tpu.memory_space<hbm>>
    %dma_wait3A_63 = tpu.memref_slice %arg5[%mul3A_32, %add3A_61] : memref<64x819200xf32, #tpu.memory_space<hbm>> -> memref<16x2048xf32, #tpu.memory_space<hbm>>
    tpu.wait_dma2 semaphore(%arg16 : memref<!tpu.dma_semaphore, #tpu.memory_space<semaphore_mem>>) src(%arg7 : memref<16x2048xf32, #tpu.memory_space<vmem>>) dst(%dma_wait3A_63 : memref<16x2048xf32, #tpu.memory_space<hbm>>)
    %add3A_64 = arith.constant 100352 : i32
    %add3A_65 = arith.addi %mul3A_34, %add3A_64 : i32
    %dma_wait3A_66 = tpu.memref_slice %arg5[%mul3A_32, %add3A_65] : memref<64x819200xf32, #tpu.memory_space<hbm>> -> memref<16x2048xf32, #tpu.memory_space<hbm>>
    %dma_wait3A_67 = tpu.memref_slice %arg5[%mul3A_32, %add3A_65] : memref<64x819200xf32, #tpu.memory_space<hbm>> -> memref<16x2048xf32, #tpu.memory_space<hbm>>
    tpu.wait_dma2 semaphore(%arg17 : memref<!tpu.dma_semaphore, #tpu.memory_space<semaphore_mem>>) src(%arg8 : memref<16x2048xf32, #tpu.memory_space<vmem>>) dst(%dma_wait3A_67 : memref<16x2048xf32, #tpu.memory_space<hbm>>)
    return
  }
}

</mosaic_0001>

<sc_bundles>
// kernel: _run.3.cloned.1.call-start
scs
__scs_entry_jumppad:
0x0: {  	(pc) =	sbr.rel $0x88, $3  }
0x1: {  	(tag) =	ssettag $0x0;
	lr =	simm.s32 $0x1  }
0x2: {  	[smem:$0x3F9E] =	sst lr;
	_ =	strace $0xD0000000  }
0x3: {  	_ = 	snop  }
0x4: {  	_ = 	snop  }
0x5: {  	_ = 	snop  }
0x6: {  	_ = 	snop  }
0x7: {  	_ = 	snop  }
__scs_overlays_trampoline_lowered:
0x8: {  	[smem:$0x3FAD] =	sst s0  }
0x9: {  	[smem:$0x3FAE] =	sst s1  }
0xa: {  	[smem:$0x3FAF] =	sst s2  }
0xb: {  	[smem:$0x3FB0] =	sst s3  }
0xc: {  	[smem:$0x3FB1] =	sst s4  }
0xd: {  	[smem:$0x3FB2] =	sst s5  }
0xe: {  	[smem:$0x3FB3] =	sst s6  }
0xf: {  	[smem:$0x3FB4] =	sst s7  }
0x10: {  	[smem:$0x3FB5] =	sst s8  }
0x11: {  	[smem:$0x3FB6] =	sst s9;
	s0 =	simm.s32 @!p0 $0x0  }
0x12: {  	s1 =	sld [smem:$0x3F9C];
	s0 =	simm.s32 @p0 $0x1  }
0x13: {  	[smem:$0x3FB7] =	sst s0;
	s0 =	simm.s32 @!p1 $0x0  }
0x14: {  	s2 =	sld [smem:$0x3F9B];
	s0 =	simm.s32 @p1 $0x1  }
0x15: {  	[smem:$0x3FB8] =	sst s0;
	s0 =	simm.s32 @!p2 $0x0  }
0x16: {  	s3 =	sld [smem:$0x3FDB];
	s0 =	simm.s32 @p2 $0x1  }
0x17: {  	s4 =	simm.s32 $0x1BF5;
	[smem:$0x3FBA] =	sst s0  }
0x18: {  	s0 =	sld [smem:$0x3F9D];
	_ =	swait.ge [sflag:s4], $0x0  }
0x19: {  	s7 =	sld [smem:$0x3F9E]  }
0x1a: {  	s8 =	sadd.s32 $0xFFFFE003, lr  }
0x1b: {  	s9 =	sadd.s32 $0xFFFFFEF7, lr;
	s5 =	simm.s32 $0xFFFFFFFF;
	p2 =	slt.u32 s8, $0xFFFFF086  }
0x1c: {  	p1 =	slt.u32 s9, $0xF7A;
	s5 =	simm.s32 @!p2 $0x0  }
0x1d: {  	s5 =	simm.s32 @p1 $0x1;
	p0 =	seq.s32 s7, s2  }
0x1e: {  	s7 =	smul.u32 @!p0 $0xF7A, s2;
	p2 =	seq.s32 @!p0 s5, $0x0  }
0x1f: {  	s9 =	smul.u32 $0xF7A, s1;
	s8 =	simm.s32 @!p0 $0x1BF5;
	p2 =	por !p2, p0  }
0x20: {  	[sflag:s8] =	ssyncset.s32 @!p0 $0xFFFFF086;
	s6 =	sadd.s32 @!p0 s3, s7;
	s7 =	simm.s32 @!p0 $0x108  }
0x21: {  	s3 =	sadd.s32 s3, s9;
	s6 =	sadd.s32 @!p0 $0x88, s6;
	s7 =	simm.s32 @p2 $0x1082  }
0x22: {  	[simem:s7], [sflag:s8] =	dma.local @!p0 [hbm:s6], $0xF7A  }
0x23: {  	s9 =	sor.u32 $0xD0000000, s2;
	s6 =	simm.s32 $0x108;
	_ =	swait.ge @!p0 [sflag:s8], $0x0  }
0x24: {  	s3 =	sadd.s32 $0x88, s3;
	s6 =	simm.s32 @!p1 $0x1082;
	[sflag:s4] =	ssyncset.s32 $0xFFFFF086  }
0x25: {  	[simem:s6], [sflag:s4] =	dma.local [hbm:s3], $0xF7A  }
0x26: {  	[smem:$0x3F9E] =	sst s1;
	(tag) =	ssettag s2;
	_ =	strace s9  }
0x27: {  	s1 =	sld [smem:$0x3FAE]  }
0x28: {  	s2 =	sld [smem:$0x3FAF]  }
0x29: {  	s4 =	sld [smem:$0x3FB1]  }
0x2a: {  	p0 =	seq.s32 s5, $0x0;
	s5 =	sld [smem:$0x3FB2]  }
0x2b: {  	s6 =	sld [smem:$0x3FB3]  }
0x2c: {  	s7 =	sld [smem:$0x3FB4]  }
0x2d: {  	s3 =	simm.s32 $0x108;
	s8 =	sld [smem:$0x3FB5]  }
0x2e: {  	s3 =	simm.s32 @!p0 $0x1082;
	s9 =	sld [smem:$0x3FB6]  }
0x2f: {  	lr =	sadd.s32 s0, s3;
	s0 =	sld [smem:$0x3FAD]  }
0x30: {  	s3 =	sld [smem:$0x3FB0]  }
0x31: {  	[smem:$0x3FB9] =	sst s10  }
0x32: {  	s10 =	sld [smem:$0x3FB7];
	_ =	sdelay $0x3  }
0x33: {  	p0 =	seq.s32 s10, $0x1;
	s10 =	sld [smem:$0x3FB9];
	_ =	sdelay $0x3  }
0x34: {  	[smem:$0x3FB9] =	sst s10  }
0x35: {  	s10 =	sld [smem:$0x3FB8];
	_ =	sdelay $0x3  }
0x36: {  	p1 =	seq.s32 s10, $0x1;
	s10 =	sld [smem:$0x3FB9];
	_ =	sdelay $0x3  }
0x37: {  	[smem:$0x3FB9] =	sst s10  }
0x38: {  	s10 =	sld [smem:$0x3FBA]  }
0x39: {  	_ = 	snop;
	(pc) =	sbr.ind lr, $3  }
0x3a: {  	_ = 	snop  }
0x3b: {  	_ = 	snop  }
0x3c: {  	p2 =	seq.s32 s10, $0x1;
	s10 =	sld [smem:$0x3FB9]  }
0x3d: {  	_ =	shalt  }
0x3e: {  	_ =	shalt  }
0x3f: {  	_ =	shalt  }
0x40: {  	_ =	shalt  }
0x41: {  	_ =	shalt  }
0x42: {  	_ =	shalt  }
0x43: {  	_ =	shalt  }
0x44: {  	_ =	shalt  }
0x45: {  	_ =	shalt  }
0x46: {  	_ =	shalt  }
0x47: {  	_ =	shalt  }
0x48: {  	_ =	shalt  }
0x49: {  	_ =	shalt  }
0x4a: {  	_ =	shalt  }
0x4b: {  	_ =	shalt  }
0x4c: {  	_ =	shalt  }
0x4d: {  	_ =	shalt  }
0x4e: {  	_ =	shalt  }
0x4f: {  	_ =	shalt  }
0x50: {  	_ =	shalt  }
0x51: {  	_ =	shalt  }
0x52: {  	_ =	shalt  }
0x53: {  	_ =	shalt  }
0x54: {  	_ =	shalt  }
0x55: {  	_ =	shalt  }
0x56: {  	_ =	shalt  }
0x57: {  	_ =	shalt  }
0x58: {  	_ =	shalt  }
0x59: {  	_ =	shalt  }
0x5a: {  	_ =	shalt  }
0x5b: {  	_ =	shalt  }
0x5c: {  	_ =	shalt  }
0x5d: {  	_ =	shalt  }
0x5e: {  	_ =	shalt  }
0x5f: {  	_ =	shalt  }
0x60: {  	_ =	shalt  }
0x61: {  	_ =	shalt  }
0x62: {  	_ =	shalt  }
0x63: {  	_ =	shalt  }
0x64: {  	_ =	shalt  }
0x65: {  	_ =	shalt  }
0x66: {  	_ =	shalt  }
0x67: {  	_ =	shalt  }
0x68: {  	_ =	shalt  }
0x69: {  	_ =	shalt  }
0x6a: {  	_ =	shalt  }
0x6b: {  	_ =	shalt  }
0x6c: {  	_ =	shalt  }
0x6d: {  	_ =	shalt  }
0x6e: {  	_ =	shalt  }
0x6f: {  	_ =	shalt  }
0x70: {  	_ =	shalt  }
0x71: {  	_ =	shalt  }
0x72: {  	_ =	shalt  }
0x73: {  	_ =	shalt  }
0x74: {  	_ =	shalt  }
0x75: {  	_ =	shalt  }
0x76: {  	_ =	shalt  }
0x77: {  	_ =	shalt  }
0x78: {  	_ =	shalt  }
0x79: {  	_ =	shalt  }
0x7a: {  	_ =	shalt  }
0x7b: {  	_ =	shalt  }
0x7c: {  	_ =	shalt  }
0x7d: {  	_ =	shalt  }
0x7e: {  	_ =	shalt  }
0x7f: {  	_ =	shalt  }
0x80: {  	_ =	shalt  }
0x81: {  	_ =	shalt  }
0x82: {  	_ =	shalt  }
0x83: {  	_ =	shalt  }
0x84: {  	_ =	shalt  }
0x85: {  	_ =	shalt  }
0x86: {  	_ =	shalt  }
0x87: {  	_ =	shalt  }
.Lfunc_end0:
.L_simem_size_0:
called_computation_lowered:
.L_overlay_start_0:
0x88: {  	s2 =	sld [smem:$0x3FD9]  }
0x89: {  	s3 =	sld [smem:$0x3FFE];
	_ =	sdelay $0x1  }
0x8a: {  	s1 =	srdreg.scid  }
0x8b: {  	s0 =	sand.u32 $0x1, s1  }
0x8c: {  	s18 =	sshll.u32 s0, $0xA;
	s2 =	sadd.s32 s3, s2  }
0x8d: {  	s2 =	sadd.s32 s2, s18  }
0x8e: {  	[smem:$0x3FC5] =	sst s2  }
0x8f: {  	_ = 	snop  }
0x90: {  	s2 =	sld [smem:$0x3FC9]  }
0x91: {  	s19 =	sld [smem:$0x3FC8]  }
0x92: {  	s4 =	sld [smem:$0x3FC7]  }
0x93: {  	s5 =	sld [smem:$0x3FD0];
	(tm) =	ssettm $0x1  }
0x94: {  	s6 =	sld [smem:$0x3FFB];
	_ =	sdelay $0x3  }
0x95: {  	_ =	strace s6  }
0x96: {  	s6 =	sld [smem:$0x3FFC];
	_ =	sdelay $0x3  }
0x97: {  	_ =	strace s6  }
0x98: {  	s6 =	sld [smem:$0x3FFD];
	_ =	sdelay $0x3  }
0x99: {  	_ =	strace s6  }
0x9a: {  	_ =	strace $0x8FFFFFFF  }
0x9b: {  	s20 =	sld [smem:$0x3FDB];
	_ =	sdelay $0x1  }
0x9c: {  	s7 =	simm.s32 $_scs_section_size  }
0x9d: {  	s8 =	simm.s32 $_size__tile_overlayer_lowered;
	s9 =	simm.s32 $_tile_overlayer_lowered  }
0x9e: {  	s23 =	simm.s32 $0x1BFF;
	s22 =	sshll.u32 s9, $0x1;
	s6 =	sadd.s32 s7, s20  }
0x9f: {  	s10 =	simm.s32 $0x0;
	s21 =	sshll.u32 s8, $0x1;
	s8 =	sadd.s32 s22, s6  }
0xa0: {  	[timem:s10], [sflag:s23] =	dma.local [hbm:s8], s21  }
0xa1: {  	_ =	swait.ge [sflag:s23], s21  }
0xa2: {  	s7 =	ssub.s32 $0x0, s21;
	[sflag:s23] =	ssyncset.done $0x0  }
0xa3: {  	[sflag:s23] =	ssyncadd.s32 s7;
	_ =	sdelay $0x1  }
0xa4: {  	s24 =	simm.s32 $0x1B8B  }
0xa5: {  	_ =	swait.ge [sflag:s24], $0x1  }
0xa6: {  	[sflag:s24] =	ssyncset.done $0x0  }
0xa7: {  	s25 =	simm.s32 $0x1B8E;
	[sflag:s24] =	ssyncadd.s32 $0xFFFFFFFF  }
0xa8: {  	s26 =	simm.s32 $execute0_lowered;
	[smem:$0x3FD2] =	sst s25  }
0xa9: {  	s7 =	sshll.u32 s26, $0x1;
	_ =	strace $0x80000046;
	[dreg:$0x1] =	wrdreg $0xFFFFFFFF  }
0xaa: {  	s28 =	simm.s32 $_size_execute0_lowered;
	s6 =	sadd.s32 s6, s7;
	[dreg:$0x0] =	wrdreg $0x0  }
0xab: {  	s7 =	sshll.u32 s28, $0x1;
	[dreg:$0x2] =	wrdreg s6  }
0xac: {  	[dreg:$0x3] =	wrdreg s7  }
0xad: {  	[dreg:$0x4] =	wrdreg $0xC0  }
0xae: {  	_ =	task [dreg:s10], $0x5FFFF  }
0xaf: {  	[dreg:$0x1] =	wrdreg $0xFFFFFFFF  }
0xb0: {  	[dreg:$0x0] =	wrdreg $0x60  }
0xb1: {  	[dreg:$0x2] =	wrdreg s2  }
0xb2: {  	[dreg:$0x3] =	wrdreg s19  }
0xb3: {  	[dreg:$0x4] =	wrdreg s4  }
0xb4: {  	[dreg:$0x5] =	wrdreg s5  }
0xb5: {  	[dreg:$0x6] =	wrdreg $0x9  }
0xb6: {  	_ =	task.clear_ibuf [dreg:s10], $0x7FFFF;
	_ =	strace $0x90000046  }
0xb7: {  	s29 =	simm.s32 $0x9;
	_ =	strace $0x80000048  }
0xb8: {  	_ =	swait.ge [sflag:s29], $0x1  }
0xb9: {  	[sflag:s29] =	ssyncadd.s32 $0xFFFFFFFF  }
0xba: {  	_ =	strace $0x90000048  }
0xbb: {  	_ =	sfence  }
0xbc: {  	s30 =	sld [smem:$0x0];
	_ =	sdelay $0x2  }
0xbd: {  	s31 =	sshll.u32 s1, $0xD;
	s1 =	sshrl.u32 s1, $0x2  }
0xbe: {  	s3 =	sand.u32 $0x4000, s31;
	s1 =	sadd.s32 s1, s30  }
0xbf: {  	s0 =	sor.u32 s3, s0;
	s1 =	sshll.u32 s1, $0x11  }
0xc0: {  	s0 =	sor.u32 s1, s0  }
0xc1: {  	s0 =	sadd.s32 $0x8F2B, s0  }
0xc2: {  	[sflag:s0] =	ssyncadd.remote.s32 $0x1  }
0xc3: {  	_ =	sfence.sel $0xFFFF  }
0xc4: {  	[dreg:$0x0] =	wrdreg $0xFFFFFFFF;
	(pc) =	sbr.abs _section_cstart, $3  }
0xc5: {  	[dreg:$0x1] =	wrdreg $0xFFFFFFFF  }
0xc6: {  	_ =	task.clear_ibuf [dreg:s10], $0x2FFFF;
	_ =	strace $0x9FFFFFFF  }
0xc7: {  	(tm) =	ssettm $0x7FFFFFFF  }
tec
execute0_lowered:
.L_overlay_start_1:
0x0: {  	(tag) =	ssettag $0x1  }
0x1: {  	s0 =	rddreg [dreg:$0x0]  }
0x2: {  	s2 =	rddreg [dreg:$0x1]  }
0x3: {  	s1 =	rddreg [dreg:$0x2]  }
0x4: {  	s13 =	rddreg [dreg:$0x3];
	s6 =	stileid.u32  }
0x5: {  	s4 =	simm.s32 $0x0;
	s3 =	srdreg.scid;
	s29 =	simm.s32 $0x2  }
0x6: {  	s31 =	simm.s32 $0x4;
	s5 =	sshll.u32 s6, $0x1;
	s6 =	sshrl.u32 s6, $0x1  }
0x7: {  	s3 =	sand.u32 $0x1, s3;
	s5 =	sand.u32 $0x2, s5;
	s7 =	smul.u32 $0x19000, s6  }
0x8: {  	[smem:$0x7FF] =	sst s4;
	s6 =	smul.u32 $0xC8000, s6;
	s5 =	sor.u32 s3, s5  }
0x9: {  	_ =	strace $0x80000047;
	s3 =	ssub.s32 $0x2, s3;
	s8 =	smul.u32 $0xC80000, s5  }
0xa: {  	s9 =	sshrl.u32 s7, $0x7;
	s10 =	sshrl.u32 s3, $0x1;
	s5 =	smul.u32 $0x7D0, s5  }
0xb: {  	s18 =	sshrl.u32 s7, $0x3;
	s22 =	sadd.s32 s13, s7;
	s23 =	sadd.s32 $0x1000, s7  }
0xc: {  	s25 =	sadd.s32 $0x1800, s7;
	s28 =	sadd.s32 $0x2000, s7;
	[dreg:$0xb] =	wrdreg s23  }
0xd: {  	s9 =	sor.u32 $0x10, s9;
	s3 =	ssub.s32 s3, s10;
	[dreg:$0xd] =	wrdreg s25  }
0xe: {  	[dreg:$0xf] =	wrdreg s28;
	s23 =	simm.s32 $0xBE80;
	s25 =	simm.s32 $0x1  }
0xf: {  	s6 =	sadd.s32 s6, s8;
	s15 =	sshll.u32 s9, $0xA;
	s1 =	sadd.s32 s1, s5  }
0x10: {  	s20 =	sshll.u32 s9, $0x4;
	s30 =	smax.u32 s3, $0x1;
	[dreg:$0x5] =	wrdreg s1  }
0x11: {  	s21 =	sshrl.u32 s8, $0x3;
	s24 =	sor.u32 $0x4000, s6;
	[dreg:$0x10] =	wrdreg s30  }
0x12: {  	s16 =	sshrl.u32 s6, $0x3;
	s26 =	sadd.s32 $0x8000, s6;
	[dreg:$0xc] =	wrdreg s24  }
0x13: {  	s17 =	sadd.s32 s8, s15;
	s1 =	sadd.s32 s0, s16;
	[dreg:$0xe] =	wrdreg s26  }
0x14: {  	s12 =	sadd.s32 s0, s21;
	s5 =	sshrl.u32 s17, $0x3;
	[dreg:$0x6] =	wrdreg s1  }
.Ltmp0:
0x15: {  	s1 =	sadd.s32 s2, s18;
	s19 =	sadd.s32 s0, s5;
	(pc) =	sbr.rel .LBB2_1-.Ltmp0, $4  }
0x16: {  	s5 =	sadd.s32 s21, s22;
	s21 =	simm.s32 $0x3E80;
	[dreg:$0x7] =	wrdreg s1  }
0x17: {  	s0 =	simm.s32 $0x5;
	[dreg:$0x8] =	wrdreg s19;
	s1 =	sadd.s32 s2, s20  }
0x18: {  	[dreg:$0xa] =	wrdreg s5;
	s19 =	simm.s32 $0x4000;
	s20 =	simm.s32 $0x640000  }
0x19: {  	s5 =	simm.s32 $0x0;
	[dreg:$0x9] =	wrdreg s1;
	s1 =	simm.s32 $0x3  }
.LBB2_14:
0x1a: {  	s3 =	simm.s32 $0x6  }
0x1b: {  	_ =	swait.ge [sflag:s3], $0x8000  }
0x1c: {  	[sflag:s3] =	ssyncset.done $0x0  }
0x1d: {  	[sflag:s3] =	ssyncadd.s32 $0xFFFF8000  }
0x1e: {  	_ =	swait.ge [sflag:s31], $0x8000  }
0x1f: {  	[sflag:s31] =	ssyncset.done $0x0  }
0x20: {  	[sflag:s31] =	ssyncadd.s32 $0xFFFF8000  }
0x21: {  	_ =	swait.ge [sflag:s0], $0x8000  }
0x22: {  	s5 =	rddreg [dreg:$0x11]  }
0x23: {  	s30 =	rddreg [dreg:$0x10];
	s5 =	sadd.s32 $0x1, s5  }
0x24: {  	p0 =	sne.s32 s5, s30  }
.Ltmp1:
0x25: {  	_ = 	snop;
	(pc) =	sbr.rel @!p0 .LBB2_15-.Ltmp1, $3  }
0x26: {  	_ =	sdelay $0x1  }
0x27: {  	[sflag:s0] =	ssyncset.done $0x0  }
0x28: {  	[sflag:s0] =	ssyncadd.s32 $0xFFFF8000  }
.LBB2_1:
0x29: {  	[dreg:$0x11] =	wrdreg s5  }
0x2a: {  	s3 =	rddreg [dreg:$0x5];
	s17 =	simm.s32 $0x7  }
0x2b: {  	[tilespmem:s4], [sflag:$0x7] =	stream.linear.gather [hbm4b:s3+s4], $0x3E80, $0x38;
	[tilespmem:$0x1D680] =	vst v63  }
0x2c: {  	_ =	swait.ge [sflag:s17], $0x3E80  }
0x2d: {  	[sflag:s17] =	ssyncset.done $0x0  }
0x2e: {  	s18 =	rddreg [dreg:$0x6];
	[sflag:s17] =	ssyncadd.s32 $0xFFFFC180  }
0x2f: {  	[tilespmem:s21], [sflag:$0x1] =	stream.strided.gather [hbm4b:s18+s19], $0x8000, s20, s19, $0x38;
	[tilespmem:$0x1D680] =	vst v63  }
0x30: {  	s24 =	simm.s32 $0x1BE80;
	s22 =	rddreg [dreg:$0x7]  }
0x31: {  	[tilespmem:s24], [sflag:$0x1] =	stream.linear.gather [hbm4b:s22+s4], $0x800, $0x38;
	[tilespmem:$0x1D680] =	vst v63  }
0x32: {  	s26 =	rddreg [dreg:$0x8]  }
0x33: {  	[tilespmem:s23], [sflag:$0x2] =	stream.strided.gather [hbm4b:s26+s19], $0x8000, s20, s19, $0x38;
	[tilespmem:$0x1D680] =	vst v63  }
0x34: {  	s30 =	simm.s32 $0x1C680;
	s6 =	simm.s32 $0x0;
	s28 =	rddreg [dreg:$0x9]  }
0x35: {  	[tilespmem:s30], [sflag:$0x2] =	stream.linear.gather [hbm4b:s28+s4], $0x800, $0x38;
	[tilespmem:$0x1D680] =	vst v63  }
.LBB2_2:
0x36: {  	_ =	swait.ge [sflag:s25], $0x8000  }
0x37: {  	[sflag:s25] =	ssyncset.done $0x0  }
0x38: {  	[sflag:s25] =	ssyncadd.s32 $0xFFFF8000  }
0x39: {  	_ =	swait.ge [sflag:s25], $0x800  }
0x3a: {  	[sflag:s25] =	ssyncset.done $0x0  }
0x3b: {  	s3 =	simm.s32 $0x1BE80;
	[sflag:s25] =	ssyncadd.s32 $0xFFFFF800  }
0x3c: {  	v2 =	vld [tilespmem:s3+$0x0];
	_ =	sdelay $0x7  }
0x3d: {  	v0 =	vld.idx.msk [tilespmem:v2+s4+$0x0], $0xffff  }
0x3e: {  	v1 =	vadd.s32 $0x3E8, v2  }
0x3f: {  	s11 =	simm.s32 $0x0  }
0x40: {  	s5 =	sand.u32 $0x70, s11;
	s7 =	sand.u32 $0x3C00, s11  }
0x41: {  	s7 =	sor.u32 s5, s7  }
0x42: {  	[tilespmem:s7+$0x3E80] =	vst.add.f32.msk $0xffff, v0  }
0x43: {  	v0 =	vld.idx.msk [tilespmem:v1+s4+$0x0], $0xffff  }
0x44: {  	v1 =	vadd.s32 $0x7D0, v2;
	_ =	sdelay $0x3  }
0x45: {  	[tilespmem:s7+$0x3F00] =	vst.add.f32.msk $0xffff, v0  }
0x46: {  	v0 =	vld.idx.msk [tilespmem:v1+s4+$0x0], $0xffff  }
0x47: {  	v1 =	vadd.s32 $0xBB8, v2;
	_ =	sdelay $0x3  }
0x48: {  	[tilespmem:s7+$0x3F80] =	vst.add.f32.msk $0xffff, v0  }
0x49: {  	v1 =	vld.idx.msk [tilespmem:v1+s4+$0x0], $0xffff  }
0x4a: {  	s14 =	simm.s32 $0x1BE90;
	v3 =	vadd.s32 $0xFA0, v2  }
0x4b: {  	v0 =	vld [tilespmem:s14+$0x0];
	_ =	sdelay $0x1  }
0x4c: {  	s15 =	sor.u32 $0x4000, s7  }
0x4d: {  	[tilespmem:s15+$0x0] =	vst.add.f32.msk $0xffff, v1  }
0x4e: {  	v1 =	vld.idx.msk [tilespmem:v3+s4+$0x0], $0xffff  }
0x4f: {  	v3 =	vadd.s32 $0x1388, v2;
	_ =	sdelay $0x2  }
0x50: {  	s16 =	sor.u32 $0x4080, s7;
	v4 =	vld.idx.msk [tilespmem:v0+s4+$0x0], $0xffff  }
0x51: {  	v5 =	vadd.s32 $0x3E8, v0;
	[tilespmem:s16+$0x0] =	vst.add.f32.msk $0xffff, v1  }
0x52: {  	s17 =	simm.s32 $0x10;
	s8 =	simm.s32 $0x80;
	v1 =	vld.idx.msk [tilespmem:v3+s4+$0x0], $0xffff  }
0x53: {  	s8 =	sand.u32 $0x3C00, s8;
	s5 =	sand.u32 $0x70, s17;
	v3 =	vadd.s32 $0x1770, v2  }
0x54: {  	s8 =	sor.u32 s5, s8  }
0x55: {  	[tilespmem:s8+$0x3E80] =	vst.add.f32.msk $0xffff, v4  }
0x56: {  	s18 =	sor.u32 $0x4100, s7;
	v4 =	vld.idx.msk [tilespmem:v5+s4+$0x0], $0xffff  }
0x57: {  	[tilespmem:s18+$0x0] =	vst.add.f32.msk $0xffff, v1;
	v1 =	vadd.s32 $0x7D0, v0  }
0x58: {  	v3 =	vld.idx.msk [tilespmem:v3+s4+$0x0], $0xffff  }
0x59: {  	v5 =	vadd.s32 $0x1B58, v2;
	_ =	sdelay $0x1  }
0x5a: {  	[tilespmem:s8+$0x3F00] =	vst.add.f32.msk $0xffff, v4  }
0x5b: {  	s22 =	sor.u32 $0x4180, s7;
	v4 =	vld.idx.msk [tilespmem:v1+s4+$0x0], $0xffff  }
0x5c: {  	[tilespmem:s22+$0x0] =	vst.add.f32.msk $0xffff, v3;
	v3 =	vadd.s32 $0xBB8, v0  }
0x5d: {  	v5 =	vld.idx.msk [tilespmem:v5+s4+$0x0], $0xffff  }
0x5e: {  	s24 =	simm.s32 $0x1BEA0;
	s3 =	sand.u32 $0x7, s11;
	v6 =	vadd.s32 $0x1F40, v2  }
0x5f: {  	s3 =	sshll.u32 s3, $0x4;
	v1 =	vld [tilespmem:s24+$0x0]  }
0x60: {  	s3 =	sadd.s32 $0x0, s3;
	[tilespmem:s8+$0x3F80] =	vst.add.f32.msk $0xffff, v4  }
0x61: {  	s3 =	sor.u32 $0x380, s3;
	v3 =	vld.idx.msk [tilespmem:v3+s4+$0x0], $0xffff  }
0x62: {  	v4 =	vadd.s32 $0xFA0, v0;
	[tilespmem:s3+$0x3E80] =	vst.add.f32.msk $0xffff, v5  }
0x63: {  	v5 =	vld.idx.msk [tilespmem:v6+s4+$0x0], $0xffff  }
0x64: {  	v6 =	vadd.s32 $0x2328, v2  }
0x65: {  	s26 =	sor.u32 $0x4000, s8  }
0x66: {  	[tilespmem:s26+$0x0] =	vst.add.f32.msk $0xffff, v3  }
0x67: {  	v4 =	vld.idx.msk [tilespmem:v4+s4+$0x0], $0xffff  }
0x68: {  	[tilespmem:s7+$0x7E80] =	vst.add.f32.msk $0xffff, v5;
	v5 =	vadd.s32 $0x1388, v0  }
0x69: {  	v6 =	vld.idx.msk [tilespmem:v6+s4+$0x0], $0xffff  }
0x6a: {  	v7 =	vadd.s32 $0x2710, v2;
	s18 =	simm.s32 $0x1BEB0;
	v8 =	vld.idx.msk [tilespmem:v1+s4+$0x0], $0xffff  }
0x6b: {  	s5 =	sor.u32 $0x4080, s8;
	v3 =	vld [tilespmem:s18+$0x0]  }
0x6c: {  	v9 =	vadd.s32 $0x3E8, v1;
	[tilespmem:s5+$0x0] =	vst.add.f32.msk $0xffff, v4  }
0x6d: {  	s9 =	simm.s32 $0x20;
	s10 =	simm.s32 $0x100;
	v4 =	vld.idx.msk [tilespmem:v5+s4+$0x0], $0xffff  }
0x6e: {  	s3 =	sand.u32 $0x70, s9;
	s5 =	sand.u32 $0x3C00, s10;
	v5 =	vadd.s32 $0x1770, v0;
	[tilespmem:s7+$0x7F00] =	vst.add.f32.msk $0xffff, v6  }
0x6f: {  	s9 =	sor.u32 s3, s5;
	v7 =	vld.idx.msk [tilespmem:v7+s4+$0x0], $0xffff  }
0x70: {  	[tilespmem:s9+$0x3E80] =	vst.add.f32.msk $0xffff, v8;
	v8 =	vadd.s32 $0x2AF8, v2  }
0x71: {  	s28 =	simm.s32 $0x3;
	s11 =	simm.s32 $0x1;
	s14 =	sor.u32 $0x4100, s8;
	v10 =	vld.idx.msk [tilespmem:v9+s4+$0x0], $0xffff  }
0x72: {  	s11 =	sand.u32 $0x7, s11;
	s15 =	simm.s32 $0x2;
	s16 =	sand.u32 $0x7, s28;
	[tilespmem:s14+$0x0] =	vst.add.f32.msk $0xffff, v4  }
0x73: {  	s24 =	simm.s32 $0x30;
	s22 =	sor.u32 $0x4180, s8;
	s3 =	sshll.u32 s11, $0x4;
	v9 =	vadd.s32 $0x7D0, v1;
	v6 =	vld.idx.msk [tilespmem:v5+s4+$0x0], $0xffff  }
0x74: {  	s26 =	simm.s32 $0x40;
	s5 =	sadd.s32 $0x80, s3;
	s3 =	sand.u32 $0x7, s15;
	[tilespmem:s7+$0x7F80] =	vst.add.f32.msk $0xffff, v7  }
0x75: {  	s11 =	sor.u32 $0x4180, s9;
	s3 =	sshll.u32 s3, $0x4;
	s14 =	sshll.u32 s16, $0x4;
	v5 =	vld.idx.msk [tilespmem:v8+s4+$0x0], $0xffff;
	v8 =	vadd.s32 $0x1B58, v0  }
0x76: {  	s17 =	sadd.s32 $0x100, s3;
	s3 =	simm.s32 $0x180;
	v4 =	vadd.s32 $0x3E8, v3;
	s30 =	sadd.s32 $0x180, s14;
	[tilespmem:s9+$0x3F00] =	vst.add.f32.msk $0xffff, v10;
	v7 =	vadd.s32 $0x2EE0, v2  }
.LBB2_3:
0x77: {  	p0 =	sne.s32 s26, $0x7F0  }
0x78: {  	s18 =	sadd.s32 $0x10, s18;
	v9 =	vld.idx.msk [tilespmem:v9+s4+$0x0], $0xffff;
	s14 =	smov.u32 s26;
	s26 =	sadd.s32 $0x10, s26  }
0x79: {  	[tilespmem:s22+$0x0] =	vst.add.f32.msk $0xffff, v6;
	s22 =	smov.u32 s11  }
0x7a: {  	v6 =	vadd.s32 $0xBB8, v1;
	s11 =	sor.u32 $0x8000, s7;
	v8 =	vld.idx.msk [tilespmem:v8+s4+$0x0], $0xffff  }
0x7b: {  	[tilespmem:s11+$0x0] =	vst.add.f32.msk $0xffff, v5  }
0x7c: {  	v5 =	vadd.s32 $0x1F40, v0;
	v7 =	vld.idx.msk [tilespmem:v7+s4+$0x0], $0xffff  }
0x7d: {  	v10 =	vld [tilespmem:s18+$0x0]  }
0x7e: {  	[tilespmem:s9+$0x3F80] =	vst.add.f32.msk $0xffff, v9;
	v9 =	vadd.s32 $0x32C8, v2  }
0x7f: {  	s11 =	sor.u32 $0x380, s5;
	s5 =	smov.u32 s17;
	s17 =	smov.u32 s30;
	v6 =	vld.idx.msk [tilespmem:v6+s4+$0x0], $0xffff  }
0x80: {  	[tilespmem:s11+$0x3E80] =	vst.add.f32.msk $0xffff, v8  }
0x81: {  	v8 =	vadd.s32 $0xFA0, v1;
	s11 =	sor.u32 $0x8080, s7;
	v5 =	vld.idx.msk [tilespmem:v5+s4+$0x0], $0xffff  }
0x82: {  	[tilespmem:s11+$0x0] =	vst.add.f32.msk $0xffff, v7  }
0x83: {  	v7 =	vadd.s32 $0x2328, v0;
	v9 =	vld.idx.msk [tilespmem:v9+s4+$0x0], $0xffff  }
0x84: {  	s11 =	sor.u32 $0x4000, s9;
	v11 =	vld.idx.msk [tilespmem:v3+s4+$0x0], $0xffff  }
0x85: {  	[tilespmem:s11+$0x0] =	vst.add.f32.msk $0xffff, v6;
	v6 =	vadd.s32 $0x36B0, v2  }
0x86: {  	v8 =	vld.idx.msk [tilespmem:v8+s4+$0x0], $0xffff  }
0x87: {  	[tilespmem:s8+$0x7E80] =	vst.add.f32.msk $0xffff, v5  }
0x88: {  	s11 =	sor.u32 $0x8100, s7;
	v5 =	vadd.s32 $0x1388, v1;
	v7 =	vld.idx.msk [tilespmem:v7+s4+$0x0], $0xffff  }
0x89: {  	s15 =	sand.u32 $0x70, s24;
	s24 =	smov.u32 s14;
	s30 =	sand.u32 $0x3C00, s3;
	[tilespmem:s11+$0x0] =	vst.add.f32.msk $0xffff, v9  }
0x8a: {  	s14 =	sor.u32 s15, s30;
	v9 =	vadd.s32 $0x2710, v0;
	v6 =	vld.idx.msk [tilespmem:v6+s4+$0x0], $0xffff  }
0x8b: {  	s15 =	sor.u32 $0x4080, s9;
	s11 =	sor.u32 $0x4180, s14;
	[tilespmem:s14+$0x3E80] =	vst.add.f32.msk $0xffff, v11  }
0x8c: {  	[tilespmem:s15+$0x0] =	vst.add.f32.msk $0xffff, v8;
	v8 =	vadd.s32 $0x3A98, v2;
	v2 =	vmovc v0;
	v0 =	vmovc v1;
	v1 =	vmov v3;
	v3 =	vmov v10  }
0x8d: {  	v5 =	vld.idx.msk [tilespmem:v5+s4+$0x0], $0xffff  }
0x8e: {  	s28 =	sadd.s32 $0x1, s28;
	[tilespmem:s8+$0x7F00] =	vst.add.f32.msk $0xffff, v7  }
0x8f: {  	s30 =	sor.u32 $0x8180, s7;
	s15 =	sand.u32 $0x7, s28;
	v7 =	vadd.s32 $0x1770, v0;
	v10 =	vld.idx.msk [tilespmem:v9+s4+$0x0], $0xffff  }
0x90: {  	s3 =	sadd.s32 $0x80, s3;
	s15 =	sshll.u32 s15, $0x4;
	v9 =	vadd.s32 $0x3E8, v3;
	[tilespmem:s30+$0x0] =	vst.add.f32.msk $0xffff, v6  }
0x91: {  	v12 =	vadd.s32 $0x2AF8, v2;
	s30 =	sadd.s32 s15, s3;
	v11 =	vld.idx.msk [tilespmem:v4+s4+$0x0], $0xffff;
	v4 =	vmov v9  }
0x92: {  	s15 =	sor.u32 $0x4100, s9;
	v13 =	vld.idx.msk [tilespmem:v8+s4+$0x0], $0xffff  }
0x93: {  	[tilespmem:s15+$0x0] =	vst.add.f32.msk $0xffff, v5  }
.Ltmp2:
0x94: {  	v9 =	vadd.s32 $0x7D0, v1;
	v6 =	vld.idx.msk [tilespmem:v7+s4+$0x0], $0xffff;
	(pc) =	sbr.rel @p0 .LBB2_3-.Ltmp2, $4  }
0x95: {  	[tilespmem:s8+$0x7F80] =	vst.add.f32.msk $0xffff, v10  }
0x96: {  	v8 =	vadd.s32 $0x1B58, v0;
	s15 =	sor.u32 $0x8200, s7;
	s7 =	smov.u32 s8;
	s8 =	smov.u32 s9;
	v5 =	vld.idx.msk [tilespmem:v12+s4+$0x0], $0xffff  }
0x97: {  	s9 =	smov.u32 s14;
	[tilespmem:s14+$0x3F00] =	vst.add.f32.msk $0xffff, v11  }
0x98: {  	v7 =	vadd.s32 $0x2EE0, v2;
	[tilespmem:s15+$0x0] =	vst.add.f32.msk $0xffff, v13  }
0x99: {  	_ =	sdelay $0x3  }
0x9a: {  	v10 =	vld.idx.msk [tilespmem:v3+s4+$0x0], $0xffff;
	_ =	sdelay $0x2  }
0x9b: {  	s14 =	sand.u32 $0x70, s24;
	s3 =	sand.u32 $0x3C00, s3  }
0x9c: {  	s18 =	sor.u32 s14, s3  }
0x9d: {  	[tilespmem:s18+$0x3E80] =	vst.add.f32.msk $0xffff, v10  }
0x9e: {  	v4 =	vld.idx.msk [tilespmem:v4+s4+$0x0], $0xffff  }
0x9f: {  	v26 =	vadd.s32 $0x7D0, v3;
	_ =	sdelay $0x2  }
0xa0: {  	v9 =	vld.idx.msk [tilespmem:v9+s4+$0x0], $0xffff  }
0xa1: {  	v27 =	vadd.s32 $0xBB8, v1;
	[tilespmem:s18+$0x3F00] =	vst.add.f32.msk $0xffff, v4  }
0xa2: {  	v10 =	vld.idx.msk [tilespmem:v26+s4+$0x0], $0xffff  }
0xa3: {  	[tilespmem:s22+$0x0] =	vst.add.f32.msk $0xffff, v6;
	v28 =	vadd.s32 $0xBB8, v3  }
0xa4: {  	v8 =	vld.idx.msk [tilespmem:v8+s4+$0x0], $0xffff  }
0xa5: {  	[tilespmem:s9+$0x3F80] =	vst.add.f32.msk $0xffff, v9  }
0xa6: {  	v4 =	vld.idx.msk [tilespmem:v27+s4+$0x0], $0xffff  }
0xa7: {  	v29 =	vadd.s32 $0xFA0, v1;
	[tilespmem:s18+$0x3F80] =	vst.add.f32.msk $0xffff, v10  }
0xa8: {  	s14 =	sor.u32 $0x8000, s7;
	v6 =	vld.idx.msk [tilespmem:v28+s4+$0x0], $0xffff  }
0xa9: {  	v30 =	vadd.s32 $0xFA0, v3;
	[tilespmem:s14+$0x0] =	vst.add.f32.msk $0xffff, v5  }
0xaa: {  	s15 =	sor.u32 $0x4000, s9;
	v7 =	vld.idx.msk [tilespmem:v7+s4+$0x0], $0xffff  }
0xab: {  	v31 =	vadd.s32 $0x1F40, v0;
	[tilespmem:s15+$0x0] =	vst.add.f32.msk $0xffff, v4  }
0xac: {  	s16 =	sor.u32 $0x4000, s18;
	v4 =	vld.idx.msk [tilespmem:v29+s4+$0x0], $0xffff  }
0xad: {  	v32 =	vadd.s32 $0x1388, v1;
	[tilespmem:s16+$0x0] =	vst.add.f32.msk $0xffff, v6  }
0xae: {  	s22 =	sor.u32 $0x380, s5;
	v5 =	vld.idx.msk [tilespmem:v30+s4+$0x0], $0xffff  }
0xaf: {  	v33 =	vadd.s32 $0x1388, v3;
	[tilespmem:s22+$0x3E80] =	vst.add.f32.msk $0xffff, v8  }
0xb0: {  	s24 =	sor.u32 $0x4080, s9;
	v8 =	vld.idx.msk [tilespmem:v31+s4+$0x0], $0xffff  }
0xb1: {  	v34 =	vadd.s32 $0x32C8, v2;
	[tilespmem:s24+$0x0] =	vst.add.f32.msk $0xffff, v4  }
0xb2: {  	s26 =	sor.u32 $0x4080, s18;
	v4 =	vld.idx.msk [tilespmem:v32+s4+$0x0], $0xffff  }
0xb3: {  	v35 =	vadd.s32 $0x1770, v1;
	[tilespmem:s26+$0x0] =	vst.add.f32.msk $0xffff, v5  }
0xb4: {  	s28 =	sor.u32 $0x8080, s7;
	v5 =	vld.idx.msk [tilespmem:v33+s4+$0x0], $0xffff  }
0xb5: {  	v36 =	vadd.s32 $0x1770, v3;
	[tilespmem:s28+$0x0] =	vst.add.f32.msk $0xffff, v7  }
0xb6: {  	s5 =	sor.u32 $0x4100, s9;
	v7 =	vld.idx.msk [tilespmem:v34+s4+$0x0], $0xffff  }
0xb7: {  	v37 =	vadd.s32 $0x2328, v0;
	[tilespmem:s5+$0x0] =	vst.add.f32.msk $0xffff, v4  }
0xb8: {  	s10 =	sor.u32 $0x4100, s18;
	v4 =	vld.idx.msk [tilespmem:v35+s4+$0x0], $0xffff  }
0xb9: {  	v38 =	vadd.s32 $0x1B58, v1;
	[tilespmem:s10+$0x0] =	vst.add.f32.msk $0xffff, v5  }
0xba: {  	v5 =	vld.idx.msk [tilespmem:v36+s4+$0x0], $0xffff  }
0xbb: {  	v39 =	vadd.s32 $0x1B58, v3;
	[tilespmem:s8+$0x7E80] =	vst.add.f32.msk $0xffff, v8  }
0xbc: {  	v8 =	vld.idx.msk [tilespmem:v37+s4+$0x0], $0xffff  }
0xbd: {  	v40 =	vadd.s32 $0x36B0, v2;
	[tilespmem:s11+$0x0] =	vst.add.f32.msk $0xffff, v4  }
0xbe: {  	s14 =	sor.u32 $0x4180, s18;
	v4 =	vld.idx.msk [tilespmem:v38+s4+$0x0], $0xffff  }
0xbf: {  	v41 =	vadd.s32 $0x1F40, v1;
	[tilespmem:s14+$0x0] =	vst.add.f32.msk $0xffff, v5  }
0xc0: {  	s15 =	sor.u32 $0x8100, s7;
	v5 =	vld.idx.msk [tilespmem:v39+s4+$0x0], $0xffff  }
0xc1: {  	v42 =	vadd.s32 $0x1F40, v3;
	[tilespmem:s15+$0x0] =	vst.add.f32.msk $0xffff, v7  }
0xc2: {  	v7 =	vld.idx.msk [tilespmem:v40+s4+$0x0], $0xffff;
	s16 =	sor.u32 $0x380, s17  }
0xc3: {  	v43 =	vadd.s32 $0x2710, v0;
	[tilespmem:s16+$0x3E80] =	vst.add.f32.msk $0xffff, v4  }
0xc4: {  	s17 =	sor.u32 $0x380, s30;
	v4 =	vld.idx.msk [tilespmem:v41+s4+$0x0], $0xffff  }
0xc5: {  	v44 =	vadd.s32 $0x2328, v1;
	[tilespmem:s17+$0x3E80] =	vst.add.f32.msk $0xffff, v5  }
0xc6: {  	v5 =	vld.idx.msk [tilespmem:v42+s4+$0x0], $0xffff  }
0xc7: {  	v45 =	vadd.s32 $0x2328, v3;
	[tilespmem:s8+$0x7F00] =	vst.add.f32.msk $0xffff, v8  }
0xc8: {  	v8 =	vld.idx.msk [tilespmem:v43+s4+$0x0], $0xffff  }
0xc9: {  	v46 =	vadd.s32 $0x3A98, v2;
	[tilespmem:s9+$0x7E80] =	vst.add.f32.msk $0xffff, v4  }
0xca: {  	v4 =	vld.idx.msk [tilespmem:v44+s4+$0x0], $0xffff  }
0xcb: {  	v47 =	vadd.s32 $0x2710, v1;
	[tilespmem:s18+$0x7E80] =	vst.add.f32.msk $0xffff, v5  }
0xcc: {  	s22 =	sor.u32 $0x8180, s7;
	v5 =	vld.idx.msk [tilespmem:v45+s4+$0x0], $0xffff  }
0xcd: {  	v48 =	vadd.s32 $0x2710, v3;
	[tilespmem:s22+$0x0] =	vst.add.f32.msk $0xffff, v7  }
0xce: {  	v2 =	vld.idx.msk [tilespmem:v46+s4+$0x0], $0xffff  }
0xcf: {  	v49 =	vadd.s32 $0x2AF8, v0;
	[tilespmem:s9+$0x7F00] =	vst.add.f32.msk $0xffff, v4  }
0xd0: {  	v4 =	vld.idx.msk [tilespmem:v47+s4+$0x0], $0xffff  }
0xd1: {  	v50 =	vadd.s32 $0x2AF8, v1;
	[tilespmem:s18+$0x7F00] =	vst.add.f32.msk $0xffff, v5  }
0xd2: {  	v5 =	vld.idx.msk [tilespmem:v48+s4+$0x0], $0xffff  }
0xd3: {  	v51 =	vadd.s32 $0x2AF8, v3;
	[tilespmem:s8+$0x7F80] =	vst.add.f32.msk $0xffff, v8  }
0xd4: {  	v7 =	vld.idx.msk [tilespmem:v49+s4+$0x0], $0xffff  }
0xd5: {  	v52 =	vadd.s32 $0x2EE0, v0;
	[tilespmem:s9+$0x7F80] =	vst.add.f32.msk $0xffff, v4  }
0xd6: {  	v4 =	vld.idx.msk [tilespmem:v50+s4+$0x0], $0xffff  }
0xd7: {  	v53 =	vadd.s32 $0x2EE0, v1;
	[tilespmem:s18+$0x7F80] =	vst.add.f32.msk $0xffff, v5  }
0xd8: {  	s24 =	sor.u32 $0x8000, s8;
	v5 =	vld.idx.msk [tilespmem:v51+s4+$0x0], $0xffff  }
0xd9: {  	v54 =	vadd.s32 $0x2EE0, v3;
	[tilespmem:s24+$0x0] =	vst.add.f32.msk $0xffff, v7  }
0xda: {  	s26 =	sor.u32 $0x8000, s9;
	v7 =	vld.idx.msk [tilespmem:v52+s4+$0x0], $0xffff  }
0xdb: {  	v55 =	vadd.s32 $0x32C8, v0;
	[tilespmem:s26+$0x0] =	vst.add.f32.msk $0xffff, v4  }
0xdc: {  	s28 =	sor.u32 $0x8000, s18;
	v4 =	vld.idx.msk [tilespmem:v53+s4+$0x0], $0xffff  }
0xdd: {  	v56 =	vadd.s32 $0x32C8, v1;
	[tilespmem:s28+$0x0] =	vst.add.f32.msk $0xffff, v5  }
0xde: {  	s30 =	sor.u32 $0x8080, s8;
	v5 =	vld.idx.msk [tilespmem:v54+s4+$0x0], $0xffff  }
0xdf: {  	v57 =	vadd.s32 $0x32C8, v3;
	[tilespmem:s30+$0x0] =	vst.add.f32.msk $0xffff, v7  }
0xe0: {  	s5 =	sor.u32 $0x8080, s9;
	v7 =	vld.idx.msk [tilespmem:v55+s4+$0x0], $0xffff  }
0xe1: {  	v58 =	vadd.s32 $0x36B0, v0;
	[tilespmem:s5+$0x0] =	vst.add.f32.msk $0xffff, v4  }
0xe2: {  	s10 =	sor.u32 $0x8080, s18;
	v4 =	vld.idx.msk [tilespmem:v56+s4+$0x0], $0xffff  }
0xe3: {  	v59 =	vadd.s32 $0x36B0, v1;
	[tilespmem:s10+$0x0] =	vst.add.f32.msk $0xffff, v5  }
0xe4: {  	s11 =	sor.u32 $0x8100, s8;
	v5 =	vld.idx.msk [tilespmem:v57+s4+$0x0], $0xffff  }
0xe5: {  	v60 =	vadd.s32 $0x36B0, v3;
	[tilespmem:s11+$0x0] =	vst.add.f32.msk $0xffff, v7  }
0xe6: {  	s14 =	sor.u32 $0x8100, s9;
	v7 =	vld.idx.msk [tilespmem:v58+s4+$0x0], $0xffff  }
0xe7: {  	v61 =	vadd.s32 $0x3A98, v0;
	[tilespmem:s14+$0x0] =	vst.add.f32.msk $0xffff, v4  }
0xe8: {  	s15 =	sor.u32 $0x8100, s18;
	v4 =	vld.idx.msk [tilespmem:v59+s4+$0x0], $0xffff  }
0xe9: {  	v62 =	vadd.s32 $0x3A98, v1;
	[tilespmem:s15+$0x0] =	vst.add.f32.msk $0xffff, v5  }
0xea: {  	s16 =	sor.u32 $0x8180, s8;
	v5 =	vld.idx.msk [tilespmem:v60+s4+$0x0], $0xffff  }
0xeb: {  	v63 =	vadd.s32 $0x3A98, v3;
	[tilespmem:s16+$0x0] =	vst.add.f32.msk $0xffff, v7  }
0xec: {  	s17 =	sor.u32 $0x8180, s9;
	v0 =	vld.idx.msk [tilespmem:v61+s4+$0x0], $0xffff  }
0xed: {  	[tilespmem:s17+$0x0] =	vst.add.f32.msk $0xffff, v4  }
0xee: {  	s22 =	sor.u32 $0x8180, s18;
	v1 =	vld.idx.msk [tilespmem:v62+s4+$0x0], $0xffff  }
0xef: {  	[tilespmem:s22+$0x0] =	vst.add.f32.msk $0xffff, v5  }
0xf0: {  	v3 =	vld.idx.msk [tilespmem:v63+s4+$0x0], $0xffff  }
0xf1: {  	s24 =	sor.u32 $0x8200, s7  }
0xf2: {  	[tilespmem:s24+$0x0] =	vst.add.f32.msk $0xffff, v2;
	s26 =	sor.u32 $0x8200, s8  }
0xf3: {  	p0 =	seq.s32 s6, $0x0;
	[tilespmem:s26+$0x0] =	vst.add.f32.msk $0xffff, v0;
	s28 =	sor.u32 $0x8200, s9  }
.Ltmp3:
0xf4: {  	s30 =	sor.u32 $0x8200, s18;
	[tilespmem:s28+$0x0] =	vst.add.f32.msk $0xffff, v1;
	(pc) =	sbr.rel @p0 .LBB2_7-.Ltmp3, $4  }
0xf5: {  	s7 =	smul.u32 $0x1800, s6;
	[tilespmem:s30+$0x0] =	vst.add.f32.msk $0xffff, v3  }
0xf6: {  	s3 =	rddreg [dreg:$0xa]  }
0xf7: {  	s3 =	sadd.s32 s7, s3  }
0xf8: {  	[hbm4b:s3+s19] =	stream.strided.scatter [tilespmem:s21], [sflag:$0x4], $0x8000, s20, s19, $0x38;
	[tilespmem:$0x1D680] =	vst v63  }
0xf9: {  	p0 =	seq.s32 s6, $0x10  }
.Ltmp4:
0xfa: {  	_ = 	snop;
	(pc) =	sbr.rel @p0 .LBB2_8-.Ltmp4, $1  }
0xfb: {  	_ =	sdelay $0x3  }
0xfc: {  	s3 =	simm.s32 $0x6  }
0xfd: {  	_ =	swait.ge [sflag:s3], $0x8000  }
0xfe: {  	[sflag:s3] =	ssyncset.done $0x0  }
0xff: {  	[sflag:s3] =	ssyncadd.s32 $0xFFFF8000  }
.LBB2_7:
0x100: {  	s3 =	rddreg [dreg:$0xb]  }
0x101: {  	s3 =	sadd.s32 s7, s3  }
0x102: {  	s8 =	simm.s32 $0x13E80;
	s5 =	sadd.s32 s3, s12;
	s3 =	sshrl.u32 s3, $0x3  }
0x103: {  	[tilespmem:s8], [sflag:$0x3] =	stream.strided.gather [hbm4b:s5+s19], $0x8000, s20, s19, $0x38;
	[tilespmem:$0x1D680] =	vst v63  }
0x104: {  	s30 =	simm.s32 $0x1CE80;
	s3 =	sadd.s32 s2, s3  }
0x105: {  	[tilespmem:s30], [sflag:$0x3] =	stream.linear.gather [hbm4b:s3+s4], $0x800, $0x38;
	[tilespmem:$0x1D680] =	vst v63  }
.LBB2_8:
0x106: {  	_ =	swait.ge [sflag:s29], $0x8000  }
0x107: {  	[sflag:s29] =	ssyncset.done $0x0  }
0x108: {  	[sflag:s29] =	ssyncadd.s32 $0xFFFF8000  }
0x109: {  	_ =	swait.ge [sflag:s29], $0x800  }
0x10a: {  	[sflag:s29] =	ssyncset.done $0x0  }
0x10b: {  	s3 =	simm.s32 $0x1C680;
	[sflag:s29] =	ssyncadd.s32 $0xFFFFF800  }
0x10c: {  	v2 =	vld [tilespmem:s3+$0x0];
	_ =	sdelay $0x7  }
0x10d: {  	v0 =	vld.idx.msk [tilespmem:v2+s4+$0x0], $0xffff  }
0x10e: {  	v1 =	vadd.s32 $0x3E8, v2  }
0x10f: {  	s14 =	simm.s32 $0x0  }
0x110: {  	s5 =	sand.u32 $0x70, s14;
	s8 =	sand.u32 $0x3C00, s14  }
0x111: {  	s8 =	sor.u32 s5, s8  }
0x112: {  	[tilespmem:s8+$0xBE80] =	vst.add.f32.msk $0xffff, v0  }
0x113: {  	v0 =	vld.idx.msk [tilespmem:v1+s4+$0x0], $0xffff  }
0x114: {  	v1 =	vadd.s32 $0x7D0, v2;
	_ =	sdelay $0x3  }
0x115: {  	[tilespmem:s8+$0xBF00] =	vst.add.f32.msk $0xffff, v0  }
0x116: {  	v0 =	vld.idx.msk [tilespmem:v1+s4+$0x0], $0xffff  }
0x117: {  	v1 =	vadd.s32 $0xBB8, v2;
	_ =	sdelay $0x3  }
0x118: {  	[tilespmem:s8+$0xBF80] =	vst.add.f32.msk $0xffff, v0  }
0x119: {  	v1 =	vld.idx.msk [tilespmem:v1+s4+$0x0], $0xffff  }
0x11a: {  	s15 =	simm.s32 $0x1C690;
	v3 =	vadd.s32 $0xFA0, v2  }
0x11b: {  	v0 =	vld [tilespmem:s15+$0x0];
	_ =	sdelay $0x1  }
0x11c: {  	s16 =	sor.u32 $0xC000, s8  }
0x11d: {  	[tilespmem:s16+$0x0] =	vst.add.f32.msk $0xffff, v1  }
0x11e: {  	v1 =	vld.idx.msk [tilespmem:v3+s4+$0x0], $0xffff  }
0x11f: {  	v3 =	vadd.s32 $0x1388, v2;
	_ =	sdelay $0x2  }
0x120: {  	s17 =	sor.u32 $0xC080, s8;
	v4 =	vld.idx.msk [tilespmem:v0+s4+$0x0], $0xffff  }
0x121: {  	v5 =	vadd.s32 $0x3E8, v0;
	[tilespmem:s17+$0x0] =	vst.add.f32.msk $0xffff, v1  }
0x122: {  	s18 =	simm.s32 $0x10;
	s9 =	simm.s32 $0x80;
	v1 =	vld.idx.msk [tilespmem:v3+s4+$0x0], $0xffff  }
0x123: {  	s9 =	sand.u32 $0x3C00, s9;
	s5 =	sand.u32 $0x70, s18;
	v3 =	vadd.s32 $0x1770, v2  }
0x124: {  	s9 =	sor.u32 s5, s9  }
0x125: {  	[tilespmem:s9+$0xBE80] =	vst.add.f32.msk $0xffff, v4  }
0x126: {  	s22 =	sor.u32 $0xC100, s8;
	v4 =	vld.idx.msk [tilespmem:v5+s4+$0x0], $0xffff  }
0x127: {  	[tilespmem:s22+$0x0] =	vst.add.f32.msk $0xffff, v1;
	v1 =	vadd.s32 $0x7D0, v0  }
0x128: {  	v3 =	vld.idx.msk [tilespmem:v3+s4+$0x0], $0xffff  }
0x129: {  	v5 =	vadd.s32 $0x1B58, v2;
	_ =	sdelay $0x1  }
0x12a: {  	[tilespmem:s9+$0xBF00] =	vst.add.f32.msk $0xffff, v4  }
0x12b: {  	s24 =	sor.u32 $0xC180, s8;
	v4 =	vld.idx.msk [tilespmem:v1+s4+$0x0], $0xffff  }
0x12c: {  	[tilespmem:s24+$0x0] =	vst.add.f32.msk $0xffff, v3;
	v3 =	vadd.s32 $0xBB8, v0  }
0x12d: {  	v5 =	vld.idx.msk [tilespmem:v5+s4+$0x0], $0xffff  }
0x12e: {  	s26 =	simm.s32 $0x1C6A0;
	s3 =	sand.u32 $0x7, s14;
	v6 =	vadd.s32 $0x1F40, v2  }
0x12f: {  	s3 =	sshll.u32 s3, $0x4;
	v1 =	vld [tilespmem:s26+$0x0]  }
0x130: {  	s3 =	sadd.s32 $0x0, s3;
	[tilespmem:s9+$0xBF80] =	vst.add.f32.msk $0xffff, v4  }
0x131: {  	s3 =	sor.u32 $0x380, s3;
	v3 =	vld.idx.msk [tilespmem:v3+s4+$0x0], $0xffff  }
0x132: {  	v4 =	vadd.s32 $0xFA0, v0;
	[tilespmem:s3+$0xBE80] =	vst.add.f32.msk $0xffff, v5  }
0x133: {  	v5 =	vld.idx.msk [tilespmem:v6+s4+$0x0], $0xffff  }
0x134: {  	v6 =	vadd.s32 $0x2328, v2  }
0x135: {  	s10 =	sor.u32 $0xC000, s9  }
0x136: {  	[tilespmem:s10+$0x0] =	vst.add.f32.msk $0xffff, v3  }
0x137: {  	v4 =	vld.idx.msk [tilespmem:v4+s4+$0x0], $0xffff  }
0x138: {  	[tilespmem:s8+$0xFE80] =	vst.add.f32.msk $0xffff, v5;
	v5 =	vadd.s32 $0x1388, v0  }
0x139: {  	v6 =	vld.idx.msk [tilespmem:v6+s4+$0x0], $0xffff  }
0x13a: {  	v7 =	vadd.s32 $0x2710, v2;
	s22 =	simm.s32 $0x1C6B0;
	v8 =	vld.idx.msk [tilespmem:v1+s4+$0x0], $0xffff  }
0x13b: {  	s11 =	sor.u32 $0xC080, s9;
	v3 =	vld [tilespmem:s22+$0x0]  }
0x13c: {  	v9 =	vadd.s32 $0x3E8, v1;
	[tilespmem:s11+$0x0] =	vst.add.f32.msk $0xffff, v4  }
0x13d: {  	s14 =	simm.s32 $0x20;
	s15 =	simm.s32 $0x100;
	v4 =	vld.idx.msk [tilespmem:v5+s4+$0x0], $0xffff  }
0x13e: {  	s5 =	sand.u32 $0x3C00, s15;
	s3 =	sand.u32 $0x70, s14;
	v5 =	vadd.s32 $0x1770, v0;
	[tilespmem:s8+$0xFF00] =	vst.add.f32.msk $0xffff, v6  }
0x13f: {  	s17 =	sor.u32 s3, s5;
	v7 =	vld.idx.msk [tilespmem:v7+s4+$0x0], $0xffff  }
0x140: {  	[tilespmem:s17+$0xBE80] =	vst.add.f32.msk $0xffff, v8;
	v8 =	vadd.s32 $0x2AF8, v2  }
0x141: {  	s30 =	simm.s32 $0x3;
	s18 =	sor.u32 $0xC100, s9;
	v10 =	vld.idx.msk [tilespmem:v9+s4+$0x0], $0xffff;
	s11 =	simm.s32 $0x1  }
0x142: {  	s28 =	simm.s32 $0x30;
	s26 =	sand.u32 $0x7, s30;
	s16 =	sand.u32 $0x7, s11;
	[tilespmem:s18+$0x0] =	vst.add.f32.msk $0xffff, v4  }
0x143: {  	s24 =	simm.s32 $0x2;
	s14 =	simm.s32 $0x180;
	v9 =	vadd.s32 $0x7D0, v1;
	s3 =	sshll.u32 s16, $0x4;
	v6 =	vld.idx.msk [tilespmem:v5+s4+$0x0], $0xffff  }
0x144: {  	s11 =	sshll.u32 s26, $0x4;
	s5 =	sadd.s32 $0x80, s3;
	s3 =	sand.u32 $0x7, s24;
	[tilespmem:s8+$0xFF80] =	vst.add.f32.msk $0xffff, v7  }
0x145: {  	s26 =	sor.u32 $0xC180, s17;
	s11 =	sadd.s32 $0x180, s11;
	s3 =	sshll.u32 s3, $0x4;
	v5 =	vld.idx.msk [tilespmem:v8+s4+$0x0], $0xffff;
	v8 =	vadd.s32 $0x1B58, v0  }
0x146: {  	[tilespmem:s17+$0xBF00] =	vst.add.f32.msk $0xffff, v10;
	s24 =	sor.u32 $0xC180, s9;
	s18 =	sadd.s32 $0x100, s3;
	s3 =	simm.s32 $0x40;
	v4 =	vadd.s32 $0x3E8, v3;
	v7 =	vadd.s32 $0x2EE0, v2  }
.LBB2_9:
0x147: {  	p0 =	sne.s32 s3, $0x7F0  }
0x148: {  	s22 =	sadd.s32 $0x10, s22;
	v9 =	vld.idx.msk [tilespmem:v9+s4+$0x0], $0xffff;
	s15 =	smov.u32 s3;
	s3 =	sadd.s32 $0x10, s3  }
0x149: {  	[tilespmem:s24+$0x0] =	vst.add.f32.msk $0xffff, v6;
	s24 =	smov.u32 s26  }
0x14a: {  	v6 =	vadd.s32 $0xBB8, v1;
	s26 =	sor.u32 $0x10000, s8;
	v8 =	vld.idx.msk [tilespmem:v8+s4+$0x0], $0xffff  }
0x14b: {  	[tilespmem:s26+$0x0] =	vst.add.f32.msk $0xffff, v5  }
0x14c: {  	v5 =	vadd.s32 $0x1F40, v0;
	v7 =	vld.idx.msk [tilespmem:v7+s4+$0x0], $0xffff  }
0x14d: {  	v10 =	vld [tilespmem:s22+$0x0]  }
0x14e: {  	[tilespmem:s17+$0xBF80] =	vst.add.f32.msk $0xffff, v9;
	v9 =	vadd.s32 $0x32C8, v2  }
0x14f: {  	s26 =	sor.u32 $0x380, s5;
	s5 =	smov.u32 s18;
	s18 =	smov.u32 s11;
	v6 =	vld.idx.msk [tilespmem:v6+s4+$0x0], $0xffff  }
0x150: {  	[tilespmem:s26+$0xBE80] =	vst.add.f32.msk $0xffff, v8  }
0x151: {  	s11 =	sor.u32 $0x10080, s8;
	v8 =	vadd.s32 $0xFA0, v1;
	v5 =	vld.idx.msk [tilespmem:v5+s4+$0x0], $0xffff  }
0x152: {  	[tilespmem:s11+$0x0] =	vst.add.f32.msk $0xffff, v7  }
0x153: {  	v7 =	vadd.s32 $0x2328, v0;
	v9 =	vld.idx.msk [tilespmem:v9+s4+$0x0], $0xffff  }
0x154: {  	s11 =	sor.u32 $0xC000, s17;
	v11 =	vld.idx.msk [tilespmem:v3+s4+$0x0], $0xffff  }
0x155: {  	[tilespmem:s11+$0x0] =	vst.add.f32.msk $0xffff, v6;
	v6 =	vadd.s32 $0x36B0, v2  }
0x156: {  	v8 =	vld.idx.msk [tilespmem:v8+s4+$0x0], $0xffff  }
0x157: {  	[tilespmem:s9+$0xFE80] =	vst.add.f32.msk $0xffff, v5  }
0x158: {  	s11 =	sor.u32 $0x10100, s8;
	v5 =	vadd.s32 $0x1388, v1;
	v7 =	vld.idx.msk [tilespmem:v7+s4+$0x0], $0xffff  }
0x159: {  	s16 =	sand.u32 $0x3C00, s14;
	s26 =	sand.u32 $0x70, s28;
	s28 =	smov.u32 s15;
	[tilespmem:s11+$0x0] =	vst.add.f32.msk $0xffff, v9  }
0x15a: {  	s15 =	sor.u32 s26, s16;
	v9 =	vadd.s32 $0x2710, v0;
	v6 =	vld.idx.msk [tilespmem:v6+s4+$0x0], $0xffff  }
0x15b: {  	s26 =	sor.u32 $0xC180, s15;
	s11 =	sor.u32 $0xC080, s17;
	[tilespmem:s15+$0xBE80] =	vst.add.f32.msk $0xffff, v11  }
0x15c: {  	[tilespmem:s11+$0x0] =	vst.add.f32.msk $0xffff, v8;
	v8 =	vadd.s32 $0x3A98, v2;
	v2 =	vmovc v0;
	v0 =	vmovc v1;
	v1 =	vmov v3;
	v3 =	vmov v10  }
0x15d: {  	v5 =	vld.idx.msk [tilespmem:v5+s4+$0x0], $0xffff  }
0x15e: {  	s30 =	sadd.s32 $0x1, s30;
	[tilespmem:s9+$0xFF00] =	vst.add.f32.msk $0xffff, v7  }
0x15f: {  	s16 =	sor.u32 $0x10180, s8;
	s11 =	sand.u32 $0x7, s30;
	v7 =	vadd.s32 $0x1770, v0;
	v10 =	vld.idx.msk [tilespmem:v9+s4+$0x0], $0xffff  }
0x160: {  	s14 =	sadd.s32 $0x80, s14;
	s11 =	sshll.u32 s11, $0x4;
	v9 =	vadd.s32 $0x3E8, v3;
	[tilespmem:s16+$0x0] =	vst.add.f32.msk $0xffff, v6  }
0x161: {  	v12 =	vadd.s32 $0x2AF8, v2;
	s11 =	sadd.s32 s11, s14;
	v11 =	vld.idx.msk [tilespmem:v4+s4+$0x0], $0xffff;
	v4 =	vmov v9  }
0x162: {  	s16 =	sor.u32 $0xC100, s17;
	v13 =	vld.idx.msk [tilespmem:v8+s4+$0x0], $0xffff  }
0x163: {  	[tilespmem:s16+$0x0] =	vst.add.f32.msk $0xffff, v5  }
.Ltmp5:
0x164: {  	v9 =	vadd.s32 $0x7D0, v1;
	v6 =	vld.idx.msk [tilespmem:v7+s4+$0x0], $0xffff;
	(pc) =	sbr.rel @p0 .LBB2_9-.Ltmp5, $4  }
0x165: {  	[tilespmem:s9+$0xFF80] =	vst.add.f32.msk $0xffff, v10  }
0x166: {  	v8 =	vadd.s32 $0x1B58, v0;
	s16 =	sor.u32 $0x10200, s8;
	s8 =	smov.u32 s9;
	s9 =	smov.u32 s17;
	v5 =	vld.idx.msk [tilespmem:v12+s4+$0x0], $0xffff  }
0x167: {  	s17 =	smov.u32 s15;
	[tilespmem:s15+$0xBF00] =	vst.add.f32.msk $0xffff, v11  }
0x168: {  	v7 =	vadd.s32 $0x2EE0, v2;
	[tilespmem:s16+$0x0] =	vst.add.f32.msk $0xffff, v13  }
0x169: {  	_ =	sdelay $0x3  }
0x16a: {  	v10 =	vld.idx.msk [tilespmem:v3+s4+$0x0], $0xffff;
	_ =	sdelay $0x2  }
0x16b: {  	s3 =	sand.u32 $0x70, s28;
	s14 =	sand.u32 $0x3C00, s14  }
0x16c: {  	s22 =	sor.u32 s3, s14  }
0x16d: {  	[tilespmem:s22+$0xBE80] =	vst.add.f32.msk $0xffff, v10  }
0x16e: {  	v4 =	vld.idx.msk [tilespmem:v4+s4+$0x0], $0xffff  }
0x16f: {  	v26 =	vadd.s32 $0x7D0, v3;
	_ =	sdelay $0x1  }
0x170: {  	v9 =	vld.idx.msk [tilespmem:v9+s4+$0x0], $0xffff  }
0x171: {  	[tilespmem:s24+$0x0] =	vst.add.f32.msk $0xffff, v6  }
0x172: {  	v27 =	vadd.s32 $0xBB8, v1;
	[tilespmem:s22+$0xBF00] =	vst.add.f32.msk $0xffff, v4  }
0x173: {  	v10 =	vld.idx.msk [tilespmem:v26+s4+$0x0], $0xffff  }
0x174: {  	v28 =	vadd.s32 $0xBB8, v3;
	s24 =	sor.u32 $0x10000, s8;
	v8 =	vld.idx.msk [tilespmem:v8+s4+$0x0], $0xffff  }
0x175: {  	[tilespmem:s24+$0x0] =	vst.add.f32.msk $0xffff, v5  }
0x176: {  	[tilespmem:s17+$0xBF80] =	vst.add.f32.msk $0xffff, v9  }
0x177: {  	v4 =	vld.idx.msk [tilespmem:v27+s4+$0x0], $0xffff  }
0x178: {  	v29 =	vadd.s32 $0xFA0, v1;
	[tilespmem:s22+$0xBF80] =	vst.add.f32.msk $0xffff, v10  }
0x179: {  	v6 =	vld.idx.msk [tilespmem:v28+s4+$0x0], $0xffff  }
0x17a: {  	v30 =	vadd.s32 $0xFA0, v3;
	s10 =	sor.u32 $0x380, s5;
	v7 =	vld.idx.msk [tilespmem:v7+s4+$0x0], $0xffff  }
0x17b: {  	s28 =	sor.u32 $0xC000, s17;
	v31 =	vadd.s32 $0x1F40, v0;
	[tilespmem:s10+$0xBE80] =	vst.add.f32.msk $0xffff, v8  }
0x17c: {  	[tilespmem:s28+$0x0] =	vst.add.f32.msk $0xffff, v4  }
0x17d: {  	s30 =	sor.u32 $0xC000, s22;
	v4 =	vld.idx.msk [tilespmem:v29+s4+$0x0], $0xffff  }
0x17e: {  	v32 =	vadd.s32 $0x1388, v1;
	[tilespmem:s30+$0x0] =	vst.add.f32.msk $0xffff, v6  }
0x17f: {  	v5 =	vld.idx.msk [tilespmem:v30+s4+$0x0], $0xffff  }
0x180: {  	v33 =	vadd.s32 $0x1388, v3;
	s16 =	sor.u32 $0x10080, s8;
	v8 =	vld.idx.msk [tilespmem:v31+s4+$0x0], $0xffff  }
0x181: {  	v34 =	vadd.s32 $0x32C8, v2;
	s14 =	sor.u32 $0xC080, s17;
	[tilespmem:s16+$0x0] =	vst.add.f32.msk $0xffff, v7  }
0x182: {  	[tilespmem:s14+$0x0] =	vst.add.f32.msk $0xffff, v4  }
0x183: {  	s15 =	sor.u32 $0xC080, s22;
	v4 =	vld.idx.msk [tilespmem:v32+s4+$0x0], $0xffff  }
0x184: {  	v35 =	vadd.s32 $0x1770, v1;
	[tilespmem:s15+$0x0] =	vst.add.f32.msk $0xffff, v5  }
0x185: {  	v5 =	vld.idx.msk [tilespmem:v33+s4+$0x0], $0xffff  }
0x186: {  	v36 =	vadd.s32 $0x1770, v3;
	v7 =	vld.idx.msk [tilespmem:v34+s4+$0x0], $0xffff  }
0x187: {  	v37 =	vadd.s32 $0x2328, v0;
	s24 =	sor.u32 $0xC100, s17;
	[tilespmem:s9+$0xFE80] =	vst.add.f32.msk $0xffff, v8  }
0x188: {  	[tilespmem:s24+$0x0] =	vst.add.f32.msk $0xffff, v4  }
0x189: {  	s28 =	sor.u32 $0xC100, s22;
	v4 =	vld.idx.msk [tilespmem:v35+s4+$0x0], $0xffff  }
0x18a: {  	v38 =	vadd.s32 $0x1B58, v1;
	[tilespmem:s28+$0x0] =	vst.add.f32.msk $0xffff, v5  }
0x18b: {  	v5 =	vld.idx.msk [tilespmem:v36+s4+$0x0], $0xffff  }
0x18c: {  	v39 =	vadd.s32 $0x1B58, v3;
	s5 =	sor.u32 $0x10100, s8;
	v8 =	vld.idx.msk [tilespmem:v37+s4+$0x0], $0xffff  }
0x18d: {  	v40 =	vadd.s32 $0x36B0, v2;
	[tilespmem:s5+$0x0] =	vst.add.f32.msk $0xffff, v7  }
0x18e: {  	[tilespmem:s26+$0x0] =	vst.add.f32.msk $0xffff, v4  }
0x18f: {  	s30 =	sor.u32 $0xC180, s22;
	v4 =	vld.idx.msk [tilespmem:v38+s4+$0x0], $0xffff  }
0x190: {  	v41 =	vadd.s32 $0x1F40, v1;
	[tilespmem:s30+$0x0] =	vst.add.f32.msk $0xffff, v5  }
0x191: {  	v5 =	vld.idx.msk [tilespmem:v39+s4+$0x0], $0xffff  }
0x192: {  	v42 =	vadd.s32 $0x1F40, v3;
	v7 =	vld.idx.msk [tilespmem:v40+s4+$0x0], $0xffff  }
0x193: {  	v43 =	vadd.s32 $0x2710, v0;
	s10 =	sor.u32 $0x380, s18;
	[tilespmem:s9+$0xFF00] =	vst.add.f32.msk $0xffff, v8  }
0x194: {  	[tilespmem:s10+$0xBE80] =	vst.add.f32.msk $0xffff, v4  }
0x195: {  	s11 =	sor.u32 $0x380, s11;
	v4 =	vld.idx.msk [tilespmem:v41+s4+$0x0], $0xffff  }
0x196: {  	v44 =	vadd.s32 $0x2328, v1;
	[tilespmem:s11+$0xBE80] =	vst.add.f32.msk $0xffff, v5  }
0x197: {  	v5 =	vld.idx.msk [tilespmem:v42+s4+$0x0], $0xffff  }
0x198: {  	v45 =	vadd.s32 $0x2328, v3;
	v8 =	vld.idx.msk [tilespmem:v43+s4+$0x0], $0xffff;
	s14 =	sor.u32 $0x10180, s8  }
0x199: {  	[tilespmem:s14+$0x0] =	vst.add.f32.msk $0xffff, v7  }
0x19a: {  	v49 =	vadd.s32 $0x2AF8, v0;
	[tilespmem:s17+$0xFE80] =	vst.add.f32.msk $0xffff, v4  }
0x19b: {  	v4 =	vld.idx.msk [tilespmem:v44+s4+$0x0], $0xffff  }
0x19c: {  	v47 =	vadd.s32 $0x2710, v1;
	[tilespmem:s22+$0xFE80] =	vst.add.f32.msk $0xffff, v5  }
0x19d: {  	v5 =	vld.idx.msk [tilespmem:v45+s4+$0x0], $0xffff  }
0x19e: {  	v48 =	vadd.s32 $0x2710, v3;
	[tilespmem:s9+$0xFF80] =	vst.add.f32.msk $0xffff, v8  }
0x19f: {  	v7 =	vld.idx.msk [tilespmem:v49+s4+$0x0], $0xffff  }
0x1a0: {  	v52 =	vadd.s32 $0x2EE0, v0;
	[tilespmem:s17+$0xFF00] =	vst.add.f32.msk $0xffff, v4  }
0x1a1: {  	v4 =	vld.idx.msk [tilespmem:v47+s4+$0x0], $0xffff  }
0x1a2: {  	v50 =	vadd.s32 $0x2AF8, v1;
	[tilespmem:s22+$0xFF00] =	vst.add.f32.msk $0xffff, v5  }
0x1a3: {  	s15 =	sor.u32 $0x10000, s9;
	v5 =	vld.idx.msk [tilespmem:v48+s4+$0x0], $0xffff  }
0x1a4: {  	v51 =	vadd.s32 $0x2AF8, v3;
	[tilespmem:s15+$0x0] =	vst.add.f32.msk $0xffff, v7  }
0x1a5: {  	v7 =	vld.idx.msk [tilespmem:v52+s4+$0x0], $0xffff  }
0x1a6: {  	v55 =	vadd.s32 $0x32C8, v0;
	[tilespmem:s17+$0xFF80] =	vst.add.f32.msk $0xffff, v4  }
0x1a7: {  	v4 =	vld.idx.msk [tilespmem:v50+s4+$0x0], $0xffff  }
0x1a8: {  	v53 =	vadd.s32 $0x2EE0, v1;
	[tilespmem:s22+$0xFF80] =	vst.add.f32.msk $0xffff, v5  }
0x1a9: {  	s24 =	sor.u32 $0x10080, s9;
	v5 =	vld.idx.msk [tilespmem:v51+s4+$0x0], $0xffff  }
0x1aa: {  	v54 =	vadd.s32 $0x2EE0, v3;
	[tilespmem:s24+$0x0] =	vst.add.f32.msk $0xffff, v7  }
0x1ab: {  	s16 =	sor.u32 $0x10000, s17;
	v7 =	vld.idx.msk [tilespmem:v55+s4+$0x0], $0xffff  }
0x1ac: {  	v58 =	vadd.s32 $0x36B0, v0;
	[tilespmem:s16+$0x0] =	vst.add.f32.msk $0xffff, v4  }
0x1ad: {  	s18 =	sor.u32 $0x10000, s22;
	v4 =	vld.idx.msk [tilespmem:v53+s4+$0x0], $0xffff  }
0x1ae: {  	v56 =	vadd.s32 $0x32C8, v1;
	[tilespmem:s18+$0x0] =	vst.add.f32.msk $0xffff, v5  }
0x1af: {  	s30 =	sor.u32 $0x10100, s9;
	v5 =	vld.idx.msk [tilespmem:v54+s4+$0x0], $0xffff  }
0x1b0: {  	v57 =	vadd.s32 $0x32C8, v3;
	[tilespmem:s30+$0x0] =	vst.add.f32.msk $0xffff, v7  }
0x1b1: {  	v46 =	vadd.s32 $0x3A98, v2;
	s26 =	sor.u32 $0x10080, s17;
	v7 =	vld.idx.msk [tilespmem:v58+s4+$0x0], $0xffff  }
0x1b2: {  	[tilespmem:s26+$0x0] =	vst.add.f32.msk $0xffff, v4  }
0x1b3: {  	s28 =	sor.u32 $0x10080, s22;
	v4 =	vld.idx.msk [tilespmem:v56+s4+$0x0], $0xffff  }
0x1b4: {  	v59 =	vadd.s32 $0x36B0, v1;
	[tilespmem:s28+$0x0] =	vst.add.f32.msk $0xffff, v5  }
0x1b5: {  	v5 =	vld.idx.msk [tilespmem:v57+s4+$0x0], $0xffff  }
0x1b6: {  	v60 =	vadd.s32 $0x36B0, v3;
	v2 =	vld.idx.msk [tilespmem:v46+s4+$0x0], $0xffff;
	s11 =	sor.u32 $0x10180, s9  }
0x1b7: {  	v61 =	vadd.s32 $0x3A98, v0;
	s5 =	sor.u32 $0x10100, s17;
	[tilespmem:s11+$0x0] =	vst.add.f32.msk $0xffff, v7  }
0x1b8: {  	[tilespmem:s5+$0x0] =	vst.add.f32.msk $0xffff, v4  }
0x1b9: {  	s10 =	sor.u32 $0x10100, s22;
	v4 =	vld.idx.msk [tilespmem:v59+s4+$0x0], $0xffff  }
0x1ba: {  	v62 =	vadd.s32 $0x3A98, v1;
	[tilespmem:s10+$0x0] =	vst.add.f32.msk $0xffff, v5  }
0x1bb: {  	v5 =	vld.idx.msk [tilespmem:v60+s4+$0x0], $0xffff  }
0x1bc: {  	v63 =	vadd.s32 $0x3A98, v3;
	v0 =	vld.idx.msk [tilespmem:v61+s4+$0x0], $0xffff;
	s16 =	sor.u32 $0x10200, s8  }
0x1bd: {  	s14 =	sor.u32 $0x10180, s17;
	[tilespmem:s16+$0x0] =	vst.add.f32.msk $0xffff, v2  }
0x1be: {  	[tilespmem:s14+$0x0] =	vst.add.f32.msk $0xffff, v4  }
0x1bf: {  	s15 =	sor.u32 $0x10180, s22;
	v1 =	vld.idx.msk [tilespmem:v62+s4+$0x0], $0xffff  }
0x1c0: {  	[tilespmem:s15+$0x0] =	vst.add.f32.msk $0xffff, v5  }
0x1c1: {  	s18 =	sor.u32 $0x10200, s9;
	v3 =	vld.idx.msk [tilespmem:v63+s4+$0x0], $0xffff  }
0x1c2: {  	p0 =	seq.s32 s6, $0x10;
	s8 =	smul.u32 $0xC000, s6;
	[tilespmem:s18+$0x0] =	vst.add.f32.msk $0xffff, v0  }
.Ltmp6:
0x1c3: {  	s26 =	rddreg [dreg:$0xc];
	(pc) =	sbr.rel @p0 .LBB2_14-.Ltmp6, $4  }
0x1c4: {  	s24 =	sor.u32 $0x10200, s17;
	s5 =	sadd.s32 s8, s26  }
0x1c5: {  	s28 =	sor.u32 $0x10200, s22;
	[tilespmem:s24+$0x0] =	vst.add.f32.msk $0xffff, v1;
	s5 =	sshrl.u32 s5, $0x3  }
0x1c6: {  	s30 =	sadd.s32 s13, s5;
	[tilespmem:s28+$0x0] =	vst.add.f32.msk $0xffff, v3  }
0x1c7: {  	[hbm4b:s30+s19] =	stream.strided.scatter [tilespmem:s23], [sflag:$0x5], $0x8000, s20, s19, $0x38;
	[tilespmem:$0x1D680] =	vst v63  }
0x1c8: {  	_ =	swait.ge [sflag:s31], $0x8000  }
0x1c9: {  	s3 =	rddreg [dreg:$0xd]  }
0x1ca: {  	[sflag:s31] =	ssyncset.done $0x0;
	s3 =	sadd.s32 s7, s3  }
0x1cb: {  	[sflag:s31] =	ssyncadd.s32 $0xFFFF8000;
	s5 =	sadd.s32 s3, s12;
	s3 =	sshrl.u32 s3, $0x3  }
0x1cc: {  	[tilespmem:s21], [sflag:$0x1] =	stream.strided.gather [hbm4b:s5+s19], $0x8000, s20, s19, $0x38;
	[tilespmem:$0x1D680] =	vst v63  }
0x1cd: {  	s11 =	simm.s32 $0x0;
	s26 =	simm.s32 $0x1BE80;
	s3 =	sadd.s32 s2, s3  }
0x1ce: {  	[tilespmem:s26], [sflag:$0x1] =	stream.linear.gather [hbm4b:s3+s11], $0x800, $0x38;
	[tilespmem:$0x1D680] =	vst v63  }
0x1cf: {  	_ =	swait.ge [sflag:s1], $0x8000  }
0x1d0: {  	[sflag:s1] =	ssyncset.done $0x0  }
0x1d1: {  	[sflag:s1] =	ssyncadd.s32 $0xFFFF8000  }
0x1d2: {  	_ =	swait.ge [sflag:s1], $0x800  }
0x1d3: {  	[sflag:s1] =	ssyncset.done $0x0  }
0x1d4: {  	s9 =	simm.s32 $0x1CE80;
	[sflag:s1] =	ssyncadd.s32 $0xFFFFF800  }
0x1d5: {  	v2 =	vld [tilespmem:s9+$0x0];
	_ =	sdelay $0x7  }
0x1d6: {  	v0 =	vld.idx.msk [tilespmem:v2+s4+$0x0], $0xffff  }
0x1d7: {  	v1 =	vadd.s32 $0x3E8, v2;
	_ =	sdelay $0x1  }
0x1d8: {  	s10 =	sand.u32 $0x70, s11;
	s14 =	sand.u32 $0x3C00, s11  }
0x1d9: {  	s9 =	sor.u32 s10, s14  }
0x1da: {  	[tilespmem:s9+$0x13E80] =	vst.add.f32.msk $0xffff, v0  }
0x1db: {  	v0 =	vld.idx.msk [tilespmem:v1+s4+$0x0], $0xffff  }
0x1dc: {  	v1 =	vadd.s32 $0x7D0, v2;
	_ =	sdelay $0x2  }
0x1dd: {  	s3 =	sadd.s32 $0x13E80, s9  }
0x1de: {  	[tilespmem:s3+$0x80] =	vst.add.f32.msk $0xffff, v0  }
0x1df: {  	v0 =	vld.idx.msk [tilespmem:v1+s4+$0x0], $0xffff  }
0x1e0: {  	v1 =	vadd.s32 $0xBB8, v2;
	_ =	sdelay $0x2  }
0x1e1: {  	s15 =	sor.u32 $0x100, s3  }
0x1e2: {  	[tilespmem:s15+$0x0] =	vst.add.f32.msk $0xffff, v0  }
0x1e3: {  	v1 =	vld.idx.msk [tilespmem:v1+s4+$0x0], $0xffff  }
0x1e4: {  	s16 =	simm.s32 $0x1CE90;
	v3 =	vadd.s32 $0xFA0, v2  }
0x1e5: {  	v0 =	vld [tilespmem:s16+$0x0];
	_ =	sdelay $0x2  }
0x1e6: {  	[tilespmem:s3+$0x180] =	vst.add.f32.msk $0xffff, v1  }
0x1e7: {  	v1 =	vld.idx.msk [tilespmem:v3+s4+$0x0], $0xffff  }
0x1e8: {  	v3 =	vadd.s32 $0x1388, v2;
	_ =	sdelay $0x2  }
0x1e9: {  	v4 =	vld.idx.msk [tilespmem:v0+s4+$0x0], $0xffff  }
0x1ea: {  	v5 =	vadd.s32 $0x3E8, v0;
	[tilespmem:s3+$0x200] =	vst.add.f32.msk $0xffff, v1  }
0x1eb: {  	s17 =	simm.s32 $0x10;
	s14 =	simm.s32 $0x80;
	v1 =	vld.idx.msk [tilespmem:v3+s4+$0x0], $0xffff  }
0x1ec: {  	s5 =	sand.u32 $0x70, s17;
	s14 =	sand.u32 $0x3C00, s14;
	v3 =	vadd.s32 $0x1770, v2  }
0x1ed: {  	s17 =	sor.u32 s5, s14  }
0x1ee: {  	[tilespmem:s17+$0x13E80] =	vst.add.f32.msk $0xffff, v4  }
0x1ef: {  	v4 =	vld.idx.msk [tilespmem:v5+s4+$0x0], $0xffff  }
0x1f0: {  	[tilespmem:s3+$0x280] =	vst.add.f32.msk $0xffff, v1;
	v1 =	vadd.s32 $0x7D0, v0  }
0x1f1: {  	v3 =	vld.idx.msk [tilespmem:v3+s4+$0x0], $0xffff  }
0x1f2: {  	v5 =	vadd.s32 $0x1B58, v2  }
0x1f3: {  	s5 =	sadd.s32 $0x13E80, s17  }
0x1f4: {  	[tilespmem:s5+$0x80] =	vst.add.f32.msk $0xffff, v4  }
0x1f5: {  	v4 =	vld.idx.msk [tilespmem:v1+s4+$0x0], $0xffff  }
0x1f6: {  	[tilespmem:s3+$0x300] =	vst.add.f32.msk $0xffff, v3;
	v3 =	vadd.s32 $0xBB8, v0  }
0x1f7: {  	v5 =	vld.idx.msk [tilespmem:v5+s4+$0x0], $0xffff  }
0x1f8: {  	s22 =	simm.s32 $0x1CEA0;
	s18 =	sand.u32 $0x7, s11;
	v6 =	vadd.s32 $0x1F40, v2  }
0x1f9: {  	s24 =	sor.u32 $0x100, s5;
	v1 =	vld [tilespmem:s22+$0x0];
	s3 =	sshll.u32 s18, $0x4  }
0x1fa: {  	s3 =	sadd.s32 $0x0, s3;
	[tilespmem:s24+$0x0] =	vst.add.f32.msk $0xffff, v4  }
0x1fb: {  	s3 =	sor.u32 $0x380, s3;
	v3 =	vld.idx.msk [tilespmem:v3+s4+$0x0], $0xffff  }
0x1fc: {  	v4 =	vadd.s32 $0xFA0, v0;
	[tilespmem:s3+$0x13E80] =	vst.add.f32.msk $0xffff, v5  }
0x1fd: {  	v5 =	vld.idx.msk [tilespmem:v6+s4+$0x0], $0xffff  }
0x1fe: {  	v6 =	vadd.s32 $0x2328, v2;
	_ =	sdelay $0x1  }
0x1ff: {  	[tilespmem:s5+$0x180] =	vst.add.f32.msk $0xffff, v3  }
0x200: {  	v4 =	vld.idx.msk [tilespmem:v4+s4+$0x0], $0xffff  }
0x201: {  	[tilespmem:s9+$0x17E80] =	vst.add.f32.msk $0xffff, v5;
	v5 =	vadd.s32 $0x1388, v0  }
0x202: {  	v6 =	vld.idx.msk [tilespmem:v6+s4+$0x0], $0xffff  }
0x203: {  	v7 =	vadd.s32 $0x2710, v2;
	s24 =	simm.s32 $0x1CEB0;
	v8 =	vld.idx.msk [tilespmem:v1+s4+$0x0], $0xffff  }
0x204: {  	v3 =	vld [tilespmem:s24+$0x0]  }
0x205: {  	v9 =	vadd.s32 $0x3E8, v1;
	[tilespmem:s5+$0x200] =	vst.add.f32.msk $0xffff, v4  }
0x206: {  	s26 =	simm.s32 $0x20;
	s10 =	simm.s32 $0x100;
	v4 =	vld.idx.msk [tilespmem:v5+s4+$0x0], $0xffff  }
0x207: {  	s11 =	sand.u32 $0x3C00, s10;
	s3 =	sand.u32 $0x70, s26;
	v5 =	vadd.s32 $0x1770, v0;
	[tilespmem:s9+$0x17F00] =	vst.add.f32.msk $0xffff, v6  }
0x208: {  	s18 =	sor.u32 s3, s11;
	v7 =	vld.idx.msk [tilespmem:v7+s4+$0x0], $0xffff  }
0x209: {  	[tilespmem:s18+$0x13E80] =	vst.add.f32.msk $0xffff, v8;
	v8 =	vadd.s32 $0x2AF8, v2  }
0x20a: {  	s14 =	simm.s32 $0x2;
	s11 =	simm.s32 $0x1;
	v10 =	vld.idx.msk [tilespmem:v9+s4+$0x0], $0xffff  }
0x20b: {  	s15 =	sand.u32 $0x7, s14;
	s3 =	sand.u32 $0x7, s11;
	[tilespmem:s5+$0x280] =	vst.add.f32.msk $0xffff, v4  }
0x20c: {  	s14 =	simm.s32 $0x40;
	s11 =	simm.s32 $0x3;
	s3 =	sshll.u32 s3, $0x4;
	v9 =	vadd.s32 $0x7D0, v1;
	v6 =	vld.idx.msk [tilespmem:v5+s4+$0x0], $0xffff  }
0x20d: {  	s26 =	simm.s32 $0x30;
	s16 =	sand.u32 $0x7, s11;
	s22 =	sadd.s32 $0x80, s3;
	[tilespmem:s9+$0x17F80] =	vst.add.f32.msk $0xffff, v7  }
0x20e: {  	s3 =	sshll.u32 s15, $0x4;
	s16 =	sshll.u32 s16, $0x4;
	s15 =	sadd.s32 $0x13E80, s18;
	v5 =	vld.idx.msk [tilespmem:v8+s4+$0x0], $0xffff;
	v8 =	vadd.s32 $0x1B58, v0  }
0x20f: {  	s28 =	sadd.s32 $0x100, s3;
	s3 =	simm.s32 $0x180;
	s30 =	sadd.s32 $0x180, s16;
	[tilespmem:s15+$0x80] =	vst.add.f32.msk $0xffff, v10;
	v4 =	vadd.s32 $0x3E8, v3;
	v7 =	vadd.s32 $0x2EE0, v2  }
.LBB2_12:
0x210: {  	p0 =	sne.s32 s14, $0x7F0  }
0x211: {  	s24 =	sadd.s32 $0x10, s24;
	v9 =	vld.idx.msk [tilespmem:v9+s4+$0x0], $0xffff;
	s16 =	smov.u32 s14;
	s14 =	sadd.s32 $0x10, s14  }
0x212: {  	[tilespmem:s5+$0x300] =	vst.add.f32.msk $0xffff, v6;
	s5 =	smov.u32 s15  }
0x213: {  	v6 =	vadd.s32 $0xBB8, v1;
	s15 =	sor.u32 $0x18000, s9;
	v8 =	vld.idx.msk [tilespmem:v8+s4+$0x0], $0xffff  }
0x214: {  	[tilespmem:s15+$0x0] =	vst.add.f32.msk $0xffff, v5  }
0x215: {  	v5 =	vadd.s32 $0x1F40, v0;
	v7 =	vld.idx.msk [tilespmem:v7+s4+$0x0], $0xffff  }
0x216: {  	s15 =	sor.u32 $0x100, s5;
	v10 =	vld [tilespmem:s24+$0x0]  }
0x217: {  	[tilespmem:s15+$0x0] =	vst.add.f32.msk $0xffff, v9;
	v9 =	vadd.s32 $0x32C8, v2  }
0x218: {  	s15 =	sor.u32 $0x380, s22;
	s22 =	smov.u32 s28;
	s28 =	smov.u32 s30;
	v6 =	vld.idx.msk [tilespmem:v6+s4+$0x0], $0xffff  }
0x219: {  	[tilespmem:s15+$0x13E80] =	vst.add.f32.msk $0xffff, v8  }
0x21a: {  	v8 =	vadd.s32 $0xFA0, v1;
	s15 =	sor.u32 $0x18080, s9;
	v5 =	vld.idx.msk [tilespmem:v5+s4+$0x0], $0xffff  }
0x21b: {  	[tilespmem:s15+$0x0] =	vst.add.f32.msk $0xffff, v7  }
0x21c: {  	v7 =	vadd.s32 $0x2328, v0;
	v9 =	vld.idx.msk [tilespmem:v9+s4+$0x0], $0xffff  }
0x21d: {  	v11 =	vld.idx.msk [tilespmem:v3+s4+$0x0], $0xffff  }
0x21e: {  	[tilespmem:s5+$0x180] =	vst.add.f32.msk $0xffff, v6;
	v6 =	vadd.s32 $0x36B0, v2  }
0x21f: {  	v8 =	vld.idx.msk [tilespmem:v8+s4+$0x0], $0xffff  }
0x220: {  	[tilespmem:s17+$0x17E80] =	vst.add.f32.msk $0xffff, v5  }
0x221: {  	s15 =	sor.u32 $0x18100, s9;
	v5 =	vadd.s32 $0x1388, v1;
	v7 =	vld.idx.msk [tilespmem:v7+s4+$0x0], $0xffff  }
0x222: {  	s10 =	sand.u32 $0x3C00, s3;
	s30 =	sand.u32 $0x70, s26;
	s26 =	smov.u32 s16;
	[tilespmem:s15+$0x0] =	vst.add.f32.msk $0xffff, v9  }
0x223: {  	s10 =	sor.u32 s30, s10;
	v9 =	vadd.s32 $0x2710, v0;
	v6 =	vld.idx.msk [tilespmem:v6+s4+$0x0], $0xffff  }
0x224: {  	[tilespmem:s10+$0x13E80] =	vst.add.f32.msk $0xffff, v11  }
0x225: {  	[tilespmem:s5+$0x200] =	vst.add.f32.msk $0xffff, v8;
	v8 =	vadd.s32 $0x3A98, v2;
	v2 =	vmovc v0;
	v0 =	vmovc v1;
	v1 =	vmov v3;
	v3 =	vmov v10  }
0x226: {  	v5 =	vld.idx.msk [tilespmem:v5+s4+$0x0], $0xffff  }
0x227: {  	s11 =	sadd.s32 $0x1, s11;
	[tilespmem:s17+$0x17F00] =	vst.add.f32.msk $0xffff, v7  }
0x228: {  	s16 =	sor.u32 $0x18180, s9;
	s15 =	sand.u32 $0x7, s11;
	v7 =	vadd.s32 $0x1770, v0;
	v10 =	vld.idx.msk [tilespmem:v9+s4+$0x0], $0xffff  }
0x229: {  	s3 =	sadd.s32 $0x80, s3;
	s15 =	sshll.u32 s15, $0x4;
	v9 =	vadd.s32 $0x3E8, v3;
	[tilespmem:s16+$0x0] =	vst.add.f32.msk $0xffff, v6  }
0x22a: {  	s30 =	sadd.s32 s15, s3;
	v12 =	vadd.s32 $0x2AF8, v2;
	v11 =	vld.idx.msk [tilespmem:v4+s4+$0x0], $0xffff;
	v4 =	vmov v9  }
0x22b: {  	v13 =	vld.idx.msk [tilespmem:v8+s4+$0x0], $0xffff  }
0x22c: {  	[tilespmem:s5+$0x280] =	vst.add.f32.msk $0xffff, v5  }
.Ltmp7:
0x22d: {  	v9 =	vadd.s32 $0x7D0, v1;
	v6 =	vld.idx.msk [tilespmem:v7+s4+$0x0], $0xffff;
	(pc) =	sbr.rel @p0 .LBB2_12-.Ltmp7, $4  }
0x22e: {  	[tilespmem:s17+$0x17F80] =	vst.add.f32.msk $0xffff, v10  }
0x22f: {  	s15 =	sadd.s32 $0x13E80, s10;
	s16 =	sor.u32 $0x18200, s9;
	s9 =	smov.u32 s17;
	v8 =	vadd.s32 $0x1B58, v0;
	v5 =	vld.idx.msk [tilespmem:v12+s4+$0x0], $0xffff  }
0x230: {  	s17 =	smov.u32 s18;
	s18 =	smov.u32 s10;
	[tilespmem:s15+$0x80] =	vst.add.f32.msk $0xffff, v11  }
0x231: {  	v7 =	vadd.s32 $0x2EE0, v2;
	[tilespmem:s16+$0x0] =	vst.add.f32.msk $0xffff, v13  }
0x232: {  	_ =	sdelay $0x3  }
0x233: {  	v10 =	vld.idx.msk [tilespmem:v3+s4+$0x0], $0xffff;
	_ =	sdelay $0x2  }
0x234: {  	s10 =	sand.u32 $0x70, s26;
	s3 =	sand.u32 $0x3C00, s3  }
0x235: {  	s24 =	sor.u32 s10, s3  }
0x236: {  	[tilespmem:s24+$0x13E80] =	vst.add.f32.msk $0xffff, v10  }
0x237: {  	v4 =	vld.idx.msk [tilespmem:v4+s4+$0x0], $0xffff  }
0x238: {  	v26 =	vadd.s32 $0x7D0, v3;
	_ =	sdelay $0x1  }
0x239: {  	v9 =	vld.idx.msk [tilespmem:v9+s4+$0x0], $0xffff  }
0x23a: {  	[tilespmem:s5+$0x300] =	vst.add.f32.msk $0xffff, v6;
	s3 =	sadd.s32 $0x13E80, s24  }
0x23b: {  	v27 =	vadd.s32 $0xBB8, v1;
	[tilespmem:s3+$0x80] =	vst.add.f32.msk $0xffff, v4  }
0x23c: {  	v10 =	vld.idx.msk [tilespmem:v26+s4+$0x0], $0xffff  }
0x23d: {  	v28 =	vadd.s32 $0xBB8, v3;
	s14 =	sor.u32 $0x18000, s9;
	v8 =	vld.idx.msk [tilespmem:v8+s4+$0x0], $0xffff  }
0x23e: {  	s10 =	sor.u32 $0x100, s15;
	[tilespmem:s14+$0x0] =	vst.add.f32.msk $0xffff, v5  }
0x23f: {  	[tilespmem:s10+$0x0] =	vst.add.f32.msk $0xffff, v9  }
0x240: {  	s11 =	sor.u32 $0x100, s3;
	v4 =	vld.idx.msk [tilespmem:v27+s4+$0x0], $0xffff  }
0x241: {  	v29 =	vadd.s32 $0xFA0, v1;
	[tilespmem:s11+$0x0] =	vst.add.f32.msk $0xffff, v10  }
0x242: {  	v6 =	vld.idx.msk [tilespmem:v28+s4+$0x0], $0xffff  }
0x243: {  	v30 =	vadd.s32 $0xFA0, v3;
	s16 =	sor.u32 $0x380, s22;
	v7 =	vld.idx.msk [tilespmem:v7+s4+$0x0], $0xffff  }
0x244: {  	v31 =	vadd.s32 $0x1F40, v0;
	[tilespmem:s16+$0x13E80] =	vst.add.f32.msk $0xffff, v8  }
0x245: {  	[tilespmem:s15+$0x180] =	vst.add.f32.msk $0xffff, v4  }
0x246: {  	v4 =	vld.idx.msk [tilespmem:v29+s4+$0x0], $0xffff  }
0x247: {  	v32 =	vadd.s32 $0x1388, v1;
	[tilespmem:s3+$0x180] =	vst.add.f32.msk $0xffff, v6  }
0x248: {  	v5 =	vld.idx.msk [tilespmem:v30+s4+$0x0], $0xffff  }
0x249: {  	v33 =	vadd.s32 $0x1388, v3;
	s22 =	sor.u32 $0x18080, s9;
	v8 =	vld.idx.msk [tilespmem:v31+s4+$0x0], $0xffff  }
0x24a: {  	v34 =	vadd.s32 $0x32C8, v2;
	[tilespmem:s22+$0x0] =	vst.add.f32.msk $0xffff, v7  }
0x24b: {  	[tilespmem:s15+$0x200] =	vst.add.f32.msk $0xffff, v4  }
0x24c: {  	v4 =	vld.idx.msk [tilespmem:v32+s4+$0x0], $0xffff  }
0x24d: {  	v35 =	vadd.s32 $0x1770, v1;
	[tilespmem:s3+$0x200] =	vst.add.f32.msk $0xffff, v5  }
0x24e: {  	v5 =	vld.idx.msk [tilespmem:v33+s4+$0x0], $0xffff  }
0x24f: {  	v36 =	vadd.s32 $0x1770, v3;
	v7 =	vld.idx.msk [tilespmem:v34+s4+$0x0], $0xffff  }
0x250: {  	v37 =	vadd.s32 $0x2328, v0;
	[tilespmem:s17+$0x17E80] =	vst.add.f32.msk $0xffff, v8  }
0x251: {  	[tilespmem:s15+$0x280] =	vst.add.f32.msk $0xffff, v4  }
0x252: {  	v4 =	vld.idx.msk [tilespmem:v35+s4+$0x0], $0xffff  }
0x253: {  	v38 =	vadd.s32 $0x1B58, v1;
	[tilespmem:s3+$0x280] =	vst.add.f32.msk $0xffff, v5  }
0x254: {  	v5 =	vld.idx.msk [tilespmem:v36+s4+$0x0], $0xffff  }
0x255: {  	v39 =	vadd.s32 $0x1B58, v3;
	s26 =	sor.u32 $0x18100, s9;
	v8 =	vld.idx.msk [tilespmem:v37+s4+$0x0], $0xffff  }
0x256: {  	v40 =	vadd.s32 $0x36B0, v2;
	[tilespmem:s26+$0x0] =	vst.add.f32.msk $0xffff, v7  }
0x257: {  	[tilespmem:s15+$0x300] =	vst.add.f32.msk $0xffff, v4  }
0x258: {  	v4 =	vld.idx.msk [tilespmem:v38+s4+$0x0], $0xffff  }
0x259: {  	v41 =	vadd.s32 $0x1F40, v1;
	[tilespmem:s3+$0x300] =	vst.add.f32.msk $0xffff, v5  }
0x25a: {  	v5 =	vld.idx.msk [tilespmem:v39+s4+$0x0], $0xffff  }
0x25b: {  	v42 =	vadd.s32 $0x1F40, v3;
	v7 =	vld.idx.msk [tilespmem:v40+s4+$0x0], $0xffff  }
0x25c: {  	s28 =	sor.u32 $0x380, s28;
	v43 =	vadd.s32 $0x2710, v0;
	[tilespmem:s17+$0x17F00] =	vst.add.f32.msk $0xffff, v8  }
0x25d: {  	[tilespmem:s28+$0x13E80] =	vst.add.f32.msk $0xffff, v4  }
0x25e: {  	s5 =	sor.u32 $0x380, s30;
	v4 =	vld.idx.msk [tilespmem:v41+s4+$0x0], $0xffff  }
0x25f: {  	v44 =	vadd.s32 $0x2328, v1;
	[tilespmem:s5+$0x13E80] =	vst.add.f32.msk $0xffff, v5  }
0x260: {  	v5 =	vld.idx.msk [tilespmem:v42+s4+$0x0], $0xffff  }
0x261: {  	v45 =	vadd.s32 $0x2328, v3;
	s10 =	sor.u32 $0x18180, s9;
	v8 =	vld.idx.msk [tilespmem:v43+s4+$0x0], $0xffff  }
0x262: {  	[tilespmem:s10+$0x0] =	vst.add.f32.msk $0xffff, v7  }
0x263: {  	v49 =	vadd.s32 $0x2AF8, v0;
	[tilespmem:s18+$0x17E80] =	vst.add.f32.msk $0xffff, v4  }
0x264: {  	v4 =	vld.idx.msk [tilespmem:v44+s4+$0x0], $0xffff  }
0x265: {  	v47 =	vadd.s32 $0x2710, v1;
	[tilespmem:s24+$0x17E80] =	vst.add.f32.msk $0xffff, v5  }
0x266: {  	v5 =	vld.idx.msk [tilespmem:v45+s4+$0x0], $0xffff  }
0x267: {  	v48 =	vadd.s32 $0x2710, v3;
	[tilespmem:s17+$0x17F80] =	vst.add.f32.msk $0xffff, v8  }
0x268: {  	v7 =	vld.idx.msk [tilespmem:v49+s4+$0x0], $0xffff  }
0x269: {  	v52 =	vadd.s32 $0x2EE0, v0;
	[tilespmem:s18+$0x17F00] =	vst.add.f32.msk $0xffff, v4  }
0x26a: {  	v4 =	vld.idx.msk [tilespmem:v47+s4+$0x0], $0xffff  }
0x26b: {  	v50 =	vadd.s32 $0x2AF8, v1;
	[tilespmem:s24+$0x17F00] =	vst.add.f32.msk $0xffff, v5  }
0x26c: {  	s11 =	sor.u32 $0x18000, s17;
	v5 =	vld.idx.msk [tilespmem:v48+s4+$0x0], $0xffff  }
0x26d: {  	v51 =	vadd.s32 $0x2AF8, v3;
	[tilespmem:s11+$0x0] =	vst.add.f32.msk $0xffff, v7  }
0x26e: {  	v7 =	vld.idx.msk [tilespmem:v52+s4+$0x0], $0xffff  }
0x26f: {  	v55 =	vadd.s32 $0x32C8, v0;
	[tilespmem:s18+$0x17F80] =	vst.add.f32.msk $0xffff, v4  }
0x270: {  	v4 =	vld.idx.msk [tilespmem:v50+s4+$0x0], $0xffff  }
0x271: {  	v53 =	vadd.s32 $0x2EE0, v1;
	[tilespmem:s24+$0x17F80] =	vst.add.f32.msk $0xffff, v5  }
0x272: {  	s16 =	sor.u32 $0x18080, s17;
	v5 =	vld.idx.msk [tilespmem:v51+s4+$0x0], $0xffff  }
0x273: {  	v54 =	vadd.s32 $0x2EE0, v3;
	[tilespmem:s16+$0x0] =	vst.add.f32.msk $0xffff, v7  }
0x274: {  	s14 =	sor.u32 $0x18000, s18;
	v7 =	vld.idx.msk [tilespmem:v55+s4+$0x0], $0xffff  }
0x275: {  	v58 =	vadd.s32 $0x36B0, v0;
	[tilespmem:s14+$0x0] =	vst.add.f32.msk $0xffff, v4  }
0x276: {  	s15 =	sor.u32 $0x18000, s24;
	v4 =	vld.idx.msk [tilespmem:v53+s4+$0x0], $0xffff  }
0x277: {  	v56 =	vadd.s32 $0x32C8, v1;
	[tilespmem:s15+$0x0] =	vst.add.f32.msk $0xffff, v5  }
0x278: {  	s28 =	sor.u32 $0x18100, s17;
	v5 =	vld.idx.msk [tilespmem:v54+s4+$0x0], $0xffff  }
0x279: {  	v57 =	vadd.s32 $0x32C8, v3;
	[tilespmem:s28+$0x0] =	vst.add.f32.msk $0xffff, v7  }
0x27a: {  	s22 =	sor.u32 $0x18080, s18;
	v7 =	vld.idx.msk [tilespmem:v58+s4+$0x0], $0xffff  }
0x27b: {  	v61 =	vadd.s32 $0x3A98, v0;
	[tilespmem:s22+$0x0] =	vst.add.f32.msk $0xffff, v4  }
0x27c: {  	s26 =	sor.u32 $0x18080, s24;
	v4 =	vld.idx.msk [tilespmem:v56+s4+$0x0], $0xffff  }
0x27d: {  	v59 =	vadd.s32 $0x36B0, v1;
	[tilespmem:s26+$0x0] =	vst.add.f32.msk $0xffff, v5  }
0x27e: {  	s10 =	sor.u32 $0x18180, s17;
	v5 =	vld.idx.msk [tilespmem:v57+s4+$0x0], $0xffff  }
0x27f: {  	v60 =	vadd.s32 $0x36B0, v3;
	[tilespmem:s10+$0x0] =	vst.add.f32.msk $0xffff, v7  }
0x280: {  	v46 =	vadd.s32 $0x3A98, v2;
	s30 =	sor.u32 $0x18100, s18;
	v0 =	vld.idx.msk [tilespmem:v61+s4+$0x0], $0xffff  }
0x281: {  	[tilespmem:s30+$0x0] =	vst.add.f32.msk $0xffff, v4  }
0x282: {  	s5 =	sor.u32 $0x18100, s24;
	v4 =	vld.idx.msk [tilespmem:v59+s4+$0x0], $0xffff  }
0x283: {  	v62 =	vadd.s32 $0x3A98, v1;
	[tilespmem:s5+$0x0] =	vst.add.f32.msk $0xffff, v5  }
0x284: {  	v5 =	vld.idx.msk [tilespmem:v60+s4+$0x0], $0xffff  }
0x285: {  	v63 =	vadd.s32 $0x3A98, v3;
	v2 =	vld.idx.msk [tilespmem:v46+s4+$0x0], $0xffff;
	s16 =	sor.u32 $0x18200, s17  }
0x286: {  	s11 =	sor.u32 $0x18180, s18;
	[tilespmem:s16+$0x0] =	vst.add.f32.msk $0xffff, v0  }
0x287: {  	[tilespmem:s11+$0x0] =	vst.add.f32.msk $0xffff, v4  }
0x288: {  	s14 =	sor.u32 $0x18180, s24;
	v1 =	vld.idx.msk [tilespmem:v62+s4+$0x0], $0xffff  }
0x289: {  	[tilespmem:s14+$0x0] =	vst.add.f32.msk $0xffff, v5  }
0x28a: {  	s15 =	sor.u32 $0x18200, s9;
	v3 =	vld.idx.msk [tilespmem:v63+s4+$0x0], $0xffff  }
0x28b: {  	[tilespmem:s15+$0x0] =	vst.add.f32.msk $0xffff, v2  }
0x28c: {  	s5 =	rddreg [dreg:$0xe]  }
0x28d: {  	s17 =	sor.u32 $0x18200, s18;
	s5 =	sadd.s32 s8, s5  }
0x28e: {  	s18 =	sor.u32 $0x18200, s24;
	[tilespmem:s17+$0x0] =	vst.add.f32.msk $0xffff, v1;
	s5 =	sshrl.u32 s5, $0x3  }
0x28f: {  	s24 =	simm.s32 $0x13E80;
	s22 =	sadd.s32 s13, s5;
	[tilespmem:s18+$0x0] =	vst.add.f32.msk $0xffff, v3  }
0x290: {  	[hbm4b:s22+s19] =	stream.strided.scatter [tilespmem:s24], [sflag:$0x6], $0x8000, s20, s19, $0x38;
	[tilespmem:$0x1D680] =	vst v63  }
0x291: {  	_ =	swait.ge [sflag:s0], $0x8000  }
0x292: {  	s26 =	rddreg [dreg:$0xf]  }
.Ltmp8:
0x293: {  	[sflag:s0] =	ssyncset.done $0x0;
	s3 =	sadd.s32 s7, s26;
	(pc) =	sbr.rel .LBB2_2-.Ltmp8, $4  }
0x294: {  	[sflag:s0] =	ssyncadd.s32 $0xFFFF8000;
	s28 =	sadd.s32 s3, s12;
	s3 =	sshrl.u32 s3, $0x3  }
0x295: {  	[tilespmem:s23], [sflag:$0x2] =	stream.strided.gather [hbm4b:s28+s19], $0x8000, s20, s19, $0x38;
	[tilespmem:$0x1D680] =	vst v63  }
0x296: {  	s6 =	sadd.s32 $0x1, s6;
	s30 =	simm.s32 $0x1C680;
	s3 =	sadd.s32 s2, s3  }
0x297: {  	[tilespmem:s30], [sflag:$0x2] =	stream.linear.gather [hbm4b:s3+s4], $0x800, $0x38;
	[tilespmem:$0x1D680] =	vst v63  }
.LBB2_15:
0x298: {  	_ =	sfence.sel $0x180000  }
0x299: {  	[bflag:$0x0] =	sbarrier.arrive $0xFFFF  }
0x29a: {  	_ =	strace $0x90000047  }
0x29b: {  	s0 =	stileid.u32;
	[bflag:$0x2] =	sbarrier.arrive $0xFFFF  }
0x29c: {  	p0 =	sne.s32 s0, $0x0;
	s0 =	rddreg [dreg:$0x4]  }
0x29d: {  	s0 =	sadd.s32 @!p0 $0x100000, s0  }
0x29e: {  	[sflag:s0] =	ssyncadd.tile.s32 @!p0 $0x1;
	_ =	shalt  }
.Lfunc_end2:
_tile_overlayer_lowered:
.L_overlay_start_2:
0x29f: {  	(tag) =	ssettag $0x2  }
0x2a0: {  	s0 =	rddreg [dreg:$0x0];
	s2 =	stileid.u32  }
0x2a1: {  	s1 =	rddreg [dreg:$0x1];
	p0 =	sne.s32 s2, $0x0  }
0x2a2: {  	s3 =	rddreg [dreg:$0x2];
	[bflag:$0x3] =	sbarrier.arrive $0xFFFF;
	s2 =	simm.s32 @!p0 $0x1C07  }
0x2a3: {  	[timem:s3], [sflag:s2] =	dma.local @!p0 [hbm:s0], s1  }
0x2a4: {  	s0 =	simm.s32 @!p0 $0x7  }
0x2a5: {  	_ =	swait.ge @!p0 [sflag:s0], s1  }
0x2a6: {  	s1 =	ssub.s32 @!p0 $0x0, s1;
	[sflag:s0] =	ssyncset.done @!p0 $0x0  }
0x2a7: {  	[sflag:s0] =	ssyncadd.s32 @!p0 s1  }
0x2a8: {  	[bflag:$0x3] =	sbarrier.arrive $0xFFFF  }
0x2a9: {  	_ =	shalt  }

</sc_bundles>
